<compile_context>
chip_gen: v7x
topology: tpu7x:2x2x1
jax: 0.10.2.dev20260603
libtpu: 0.0.44.dev20260713+nightly
codegen_flags: <defaults>
</compile_context>

<pallas_src>
import functools

import jax
import jax.numpy as jnp
from jax import lax
from jax.experimental import pallas as pl
from jax.experimental.pallas import tpu as pltpu
from jax.experimental.pallas import tpu_sc as plsc

L = 204800
H = 128
NTYPES = 32
NTIME = 1024

NC = 2
NS = 16
NW = NC * NS
RPW = L // NW
CB = 256
SG = 128
NCHUNK = RPW // CB
NCOL = H // 16
NB = 3
NTRIPLE = NCHUNK // NB


def _body(c_hbm, tid_hbm, mid_hbm, et_hbm, tt_hbm, out_hbm,
          tid_all, mid_all, cv0, cv1, cv2, fix_v,
          et_sp, tt_sp,
          st0, st1, st2, sm0, sm1, sm2, sc0, sc1, sc2, so0, so1, so2):
    c_v = (cv0, cv1, cv2)
    sem_t = (st0, st1, st2)
    sem_m = (sm0, sm1, sm2)
    sem_c = (sc0, sc1, sc2)
    sem_o = (so0, so1, so2)

    cid = lax.axis_index("c")
    sid = lax.axis_index("s")
    wid = sid * NC + cid
    base0 = wid * RPW

    def idx_slice(n):
        return pl.ds(base0 + n * CB, CB)

    def gadd_descs(n, b):
        out = []
        for table, ids, sem in ((et_sp, tid_all, sem_t[b]),
                                (tt_sp, mid_all, sem_m[b])):
            for off in (0, SG):
                out.append((
                    table.at[ids.at[pl.ds(n * CB + off, SG)]],
                    c_v[b].at[pl.ds(off, SG)],
                    sem))
        return out

    def issue_gadds(n, b):
        for src, dst, sem in gadd_descs(n, b):
            pltpu.async_copy(src, dst, sem, add=True)

    def wait_gadds(n, b):
        for src, dst, sem in gadd_descs(n, b):
            pltpu.make_async_copy(src, dst, sem).wait()

    @pl.when(sid == 0)
    def _stage_tables():
        pltpu.sync_copy(et_hbm, et_sp)
        pltpu.sync_copy(tt_hbm, tt_sp)

    pltpu.sync_copy(tid_hbm.at[pl.ds(base0, RPW)], tid_all)
    pltpu.sync_copy(mid_hbm.at[pl.ds(base0, RPW)], mid_all)
    plsc.subcore_barrier()

    pltpu.async_copy(c_hbm.at[idx_slice(0)], c_v[0], sem_c[0])

    def stage(n, b, bp, bpp):
        pltpu.make_async_copy(c_hbm.at[idx_slice(n)], c_v[b], sem_c[b]).wait()
        issue_gadds(n, b)

        @pl.when(n >= 1)
        def _store_prev():
            wait_gadds(n - 1, bp)

            @pl.when((wid == 0) & (n == 1))
            def _fix_row0():
                mvec = mid_all[pl.ds(0, 16)]
                pltpu.sync_copy(tt_sp.at[pl.ds(mvec[0], 1)], fix_v)
                for j in range(NCOL):
                    sl = pl.ds(j * 16, 16)
                    c_v[0][0, sl] = c_v[0][0, sl] - fix_v[0, sl]

            pltpu.async_copy(c_v[bp], out_hbm.at[idx_slice(n - 1)], sem_o[bp])

        @pl.when(n >= 2)
        def _drain_store():
            pltpu.make_async_copy(
                c_v[bpp], out_hbm.at[idx_slice(n - 2)], sem_o[bpp]).wait()

        @pl.when(n + 1 < NCHUNK)
        def _launch_content():
            pltpu.async_copy(c_hbm.at[idx_slice(n + 1)], c_v[bpp], sem_c[bpp])

    def triple_fn(g, carry):
        for b in range(NB):
            n = NB * g + b
            stage(n, b, (b - 1) % NB, (b - 2) % NB)
        return carry

    lax.fori_loop(0, NTRIPLE, triple_fn, 0)

    nl = NB * NTRIPLE
    stage(nl, nl % NB, (nl - 1) % NB, (nl - 2) % NB)
    wait_gadds(nl, nl % NB)
    pltpu.async_copy(c_v[nl % NB], out_hbm.at[idx_slice(nl)], sem_o[nl % NB])
    pltpu.make_async_copy(
        c_v[(nl - 1) % NB], out_hbm.at[idx_slice(nl - 1)],
        sem_o[(nl - 1) % NB]).wait()
    pltpu.make_async_copy(
        c_v[nl % NB], out_hbm.at[idx_slice(nl)], sem_o[nl % NB]).wait()


@jax.jit
def _encode(content_embeddings, type_ids, time_ids, event_table, time_table):
    mesh = plsc.VectorSubcoreMesh(core_axis_name="c", subcore_axis_name="s")
    run = functools.partial(
        pl.kernel,
        mesh=mesh,
        out_type=jax.ShapeDtypeStruct((L, H), jnp.float32),
        scratch_types=[
            pltpu.VMEM((RPW,), jnp.int32),
            pltpu.VMEM((RPW,), jnp.int32),
            pltpu.VMEM((CB, H), jnp.float32),
            pltpu.VMEM((CB, H), jnp.float32),
            pltpu.VMEM((CB, H), jnp.float32),
            pltpu.VMEM((1, H), jnp.float32),
            pltpu.VMEM_SHARED((NTYPES, H), jnp.float32),
            pltpu.VMEM_SHARED((NTIME, H), jnp.float32),
        ] + [pltpu.SemaphoreType.DMA] * 12,
    )(_body)
    return run(content_embeddings, type_ids, time_ids, event_table, time_table)


def kernel(content_embeddings, type_ids, time_ids, event_table, time_table):
    return _encode(
        content_embeddings,
        type_ids.astype(jnp.int32),
        time_ids.astype(jnp.int32),
        event_table,
        time_table,
    )

# --- scband reference (transcript-rebuilt; emitter-appended) ---
"""Pipeline reference for scband-event-sequence-encoder-53798760350076 (READ-ONLY COPY).

The authoritative reference and input builder live on the scoring server;
editing this copy changes nothing except your own understanding.
"""

import jax, jax.numpy as jnp
import numpy as np

L = 204800
H = 128
NTYPES = 32
NTIME = 1024


def setup_inputs(seed: int = 0) -> dict:
    key = jax.random.key(seed)
    k1, k2, k3, k4, k5 = jax.random.split(key, 5)
    return {
        "content_embeddings": jax.random.normal(k1, (L, H), dtype=jnp.float32),
        "type_ids": jax.random.randint(k2, (L,), 0, NTYPES, dtype=jnp.int64) if jax.config.jax_enable_x64 else jax.random.randint(k2, (L,), 0, NTYPES).astype(jnp.int32),
        "time_ids": jax.random.randint(k3, (L,), 0, NTIME, dtype=jnp.int64) if jax.config.jax_enable_x64 else jax.random.randint(k3, (L,), 0, NTIME).astype(jnp.int32),
        "event_table": jax.random.normal(k4, (NTYPES, H), dtype=jnp.float32) * 0.02,
        "time_table": jax.random.normal(k5, (NTIME, H), dtype=jnp.float32) * 0.02,
    }


def reference(content_embeddings, type_ids, time_ids, event_table, time_table):
    # Tensorized form of EventSequenceEncoder.forward:
    #   embeddings = concat of per-event 'cls' vectors  -> content_embeddings [L, H]
    #   + event-type embedding lookup (nn.Embedding)    -> gather from event_table
    #   + relative-time embedding lookup, with the time
    #     embedding of the first event zeroed out       -> gather from time_table, row 0 set to 0
    emb = content_embeddings
    type_emb = jnp.take(event_table, type_ids, axis=0)
    emb = emb + type_emb
    time_emb = jnp.take(time_table, time_ids, axis=0)
    time_emb = time_emb.at[0].set(0.0)
    emb = emb + time_emb
    return emb

if __name__ == "__main__":
    import jax
    _d = setup_inputs()
    print(jax.jit(kernel)(*tuple(_d.values())))

</pallas_src>

<mosaic_0001>
#map = affine_map<(d0, d1) -> (0, 0)>
#map1 = affine_map<(d0, d1) -> (0)>
module attributes {stable_mosaic.version = 14 : i64} {
  func.func @_body(%arg0: i32, %arg1: i32, %arg2: memref<204800x128xf32, #tpu.memory_space<hbm>>, %arg3: memref<204800xi32, #tpu.memory_space<hbm>>, %arg4: memref<204800xi32, #tpu.memory_space<hbm>>, %arg5: memref<32x128xf32, #tpu.memory_space<hbm>>, %arg6: memref<1024x128xf32, #tpu.memory_space<hbm>>, %arg7: memref<204800x128xf32, #tpu.memory_space<hbm>>, %arg8: memref<6400xi32, #tpu.memory_space<vmem>>, %arg9: memref<6400xi32, #tpu.memory_space<vmem>>, %arg10: memref<256x128xf32, #tpu.memory_space<vmem>>, %arg11: memref<256x128xf32, #tpu.memory_space<vmem>>, %arg12: memref<256x128xf32, #tpu.memory_space<vmem>>, %arg13: memref<1x128xf32, #tpu.memory_space<vmem>>, %arg14: memref<32x128xf32, #tpu.memory_space<vmem_shared>>, %arg15: memref<1024x128xf32, #tpu.memory_space<vmem_shared>>, %arg16: memref<!tpu.dma_semaphore, #tpu.memory_space<semaphore_mem>>, %arg17: memref<!tpu.dma_semaphore, #tpu.memory_space<semaphore_mem>>, %arg18: memref<!tpu.dma_semaphore, #tpu.memory_space<semaphore_mem>>, %arg19: memref<!tpu.dma_semaphore, #tpu.memory_space<semaphore_mem>>, %arg20: memref<!tpu.dma_semaphore, #tpu.memory_space<semaphore_mem>>, %arg21: memref<!tpu.dma_semaphore, #tpu.memory_space<semaphore_mem>>, %arg22: memref<!tpu.dma_semaphore, #tpu.memory_space<semaphore_mem>>, %arg23: memref<!tpu.dma_semaphore, #tpu.memory_space<semaphore_mem>>, %arg24: memref<!tpu.dma_semaphore, #tpu.memory_space<semaphore_mem>>, %arg25: memref<!tpu.dma_semaphore, #tpu.memory_space<semaphore_mem>>, %arg26: memref<!tpu.dma_semaphore, #tpu.memory_space<semaphore_mem>>, %arg27: memref<!tpu.dma_semaphore, #tpu.memory_space<semaphore_mem>>) attributes {dimension_semantics = [#tpu.dimension_semantics<core_parallel>, #tpu.dimension_semantics<subcore_parallel>], iteration_bounds = array<i64: 2, 16>, scalar_prefetch = 0 : i64, scratch_operands = 20 : i64, tpu.core_type = #tpu.core_type<sc_vector_subcore>, window_params = [{transform_indices = #map}, {transform_indices = #map1}, {transform_indices = #map1}, {transform_indices = #map}, {transform_indices = #map}, {transform_indices = #map}]} {
    %mul3A = arith.constant 2 : i32
    %mul3A_0 = arith.muli %arg1, %mul3A : i32
    %add3A = arith.addi %mul3A_0, %arg0 : i32
    %mul3A_1 = arith.constant 6400 : i32
    %mul3A_2 = arith.muli %add3A, %mul3A_1 : i32
    %eq3A = arith.constant 0 : i32
    %eq3A_3 = arith.cmpi eq, %arg1, %eq3A : i32
    %convert_element_type3A = arith.extui %eq3A_3 : i1 to i32
    %cond3A = arith.constant 0 : i32
    %cond3A_4 = arith.cmpi ne, %convert_element_type3A, %cond3A : i32
    scf.if %cond3A_4 {
      "tpu.region"() ({
        %run_scoped3A = tpu.sem_alloc : memref<!tpu.dma_semaphore, #tpu.memory_space<semaphore_mem>>
        tpu.enqueue_dma source(%arg5 : memref<32x128xf32, #tpu.memory_space<hbm>>) target(%arg14 : memref<32x128xf32, #tpu.memory_space<vmem_shared>>) target_semaphore(%run_scoped3A : memref<!tpu.dma_semaphore, #tpu.memory_space<semaphore_mem>>)
        tpu.wait_dma2 semaphore(%run_scoped3A : memref<!tpu.dma_semaphore, #tpu.memory_space<semaphore_mem>>) src(%arg5 : memref<32x128xf32, #tpu.memory_space<hbm>>) dst(%arg14 : memref<32x128xf32, #tpu.memory_space<vmem_shared>>)
        tpu.yield
      }) : () -> ()
      "tpu.region"() ({
        %run_scoped3A = tpu.sem_alloc : memref<!tpu.dma_semaphore, #tpu.memory_space<semaphore_mem>>
        tpu.enqueue_dma source(%arg6 : memref<1024x128xf32, #tpu.memory_space<hbm>>) target(%arg15 : memref<1024x128xf32, #tpu.memory_space<vmem_shared>>) target_semaphore(%run_scoped3A : memref<!tpu.dma_semaphore, #tpu.memory_space<semaphore_mem>>)
        tpu.wait_dma2 semaphore(%run_scoped3A : memref<!tpu.dma_semaphore, #tpu.memory_space<semaphore_mem>>) src(%arg6 : memref<1024x128xf32, #tpu.memory_space<hbm>>) dst(%arg15 : memref<1024x128xf32, #tpu.memory_space<vmem_shared>>)
        tpu.yield
      }) : () -> ()
    } else {
    }
    "tpu.region"() ({
      %run_scoped3A = tpu.sem_alloc : memref<!tpu.dma_semaphore, #tpu.memory_space<semaphore_mem>>
      %dma_start3A_152 = tpu.memref_slice %arg3[%mul3A_2] : memref<204800xi32, #tpu.memory_space<hbm>> -> memref<6400xi32, #tpu.memory_space<hbm>>
      %dma_start3A_153 = tpu.memref_slice %arg3[%mul3A_2] : memref<204800xi32, #tpu.memory_space<hbm>> -> memref<6400xi32, #tpu.memory_space<hbm>>
      tpu.enqueue_dma source(%dma_start3A_153 : memref<6400xi32, #tpu.memory_space<hbm>>) target(%arg8 : memref<6400xi32, #tpu.memory_space<vmem>>) target_semaphore(%run_scoped3A : memref<!tpu.dma_semaphore, #tpu.memory_space<semaphore_mem>>)
      %dma_wait3A_154 = tpu.memref_slice %arg3[%mul3A_2] : memref<204800xi32, #tpu.memory_space<hbm>> -> memref<6400xi32, #tpu.memory_space<hbm>>
      %dma_wait3A_155 = tpu.memref_slice %arg3[%mul3A_2] : memref<204800xi32, #tpu.memory_space<hbm>> -> memref<6400xi32, #tpu.memory_space<hbm>>
      tpu.wait_dma2 semaphore(%run_scoped3A : memref<!tpu.dma_semaphore, #tpu.memory_space<semaphore_mem>>) src(%dma_wait3A_155 : memref<6400xi32, #tpu.memory_space<hbm>>) dst(%arg8 : memref<6400xi32, #tpu.memory_space<vmem>>)
      tpu.yield
    }) : () -> ()
    "tpu.region"() ({
      %run_scoped3A = tpu.sem_alloc : memref<!tpu.dma_semaphore, #tpu.memory_space<semaphore_mem>>
      %dma_start3A_152 = tpu.memref_slice %arg4[%mul3A_2] : memref<204800xi32, #tpu.memory_space<hbm>> -> memref<6400xi32, #tpu.memory_space<hbm>>
      %dma_start3A_153 = tpu.memref_slice %arg4[%mul3A_2] : memref<204800xi32, #tpu.memory_space<hbm>> -> memref<6400xi32, #tpu.memory_space<hbm>>
      tpu.enqueue_dma source(%dma_start3A_153 : memref<6400xi32, #tpu.memory_space<hbm>>) target(%arg9 : memref<6400xi32, #tpu.memory_space<vmem>>) target_semaphore(%run_scoped3A : memref<!tpu.dma_semaphore, #tpu.memory_space<semaphore_mem>>)
      %dma_wait3A_154 = tpu.memref_slice %arg4[%mul3A_2] : memref<204800xi32, #tpu.memory_space<hbm>> -> memref<6400xi32, #tpu.memory_space<hbm>>
      %dma_wait3A_155 = tpu.memref_slice %arg4[%mul3A_2] : memref<204800xi32, #tpu.memory_space<hbm>> -> memref<6400xi32, #tpu.memory_space<hbm>>
      tpu.wait_dma2 semaphore(%run_scoped3A : memref<!tpu.dma_semaphore, #tpu.memory_space<semaphore_mem>>) src(%dma_wait3A_155 : memref<6400xi32, #tpu.memory_space<hbm>>) dst(%arg9 : memref<6400xi32, #tpu.memory_space<vmem>>)
      tpu.yield
    }) : () -> ()
    %barrier3A = arith.constant 0 : index
    tpu.barrier barrier_id(%barrier3A)
    %add3A_5 = arith.constant 0 : i32
    %add3A_6 = arith.addi %mul3A_2, %add3A_5 : i32
    %dma_start3A = arith.constant 0 : i32
    %dma_start3A_7 = tpu.memref_slice %arg2[%add3A_6, %dma_start3A] : memref<204800x128xf32, #tpu.memory_space<hbm>> -> memref<256x128xf32, #tpu.memory_space<hbm>>
    %dma_start3A_8 = arith.constant 0 : i32
    %dma_start3A_9 = tpu.memref_slice %arg2[%add3A_6, %dma_start3A_8] : memref<204800x128xf32, #tpu.memory_space<hbm>> -> memref<256x128xf32, #tpu.memory_space<hbm>>
    tpu.enqueue_dma source(%dma_start3A_9 : memref<256x128xf32, #tpu.memory_space<hbm>>) target(%arg10 : memref<256x128xf32, #tpu.memory_space<vmem>>) target_semaphore(%arg22 : memref<!tpu.dma_semaphore, #tpu.memory_space<semaphore_mem>>)
    %scan3A = arith.constant 0 : i32
    %scan3A_10 = arith.constant 0 : i32
    %scan3A_11 = arith.constant 8 : i32
    %scan3A_12 = arith.addi %scan3A_10, %scan3A_11 : i32
    %scan3A_13 = arith.constant 1 : i32
    scf.for %scan3A_152 = %scan3A_10 to %scan3A_12 step %scan3A_13  : i32 {
      %mul3A_153 = arith.constant 3 : i32
      %mul3A_154 = arith.muli %mul3A_153, %scan3A_152 : i32
      %add3A_155 = arith.constant 0 : i32
      %add3A_156 = arith.addi %mul3A_154, %add3A_155 : i32
      %mul3A_157 = arith.constant 256 : i32
      %mul3A_158 = arith.muli %add3A_156, %mul3A_157 : i32
      %add3A_159 = arith.addi %mul3A_2, %mul3A_158 : i32
      %dma_wait3A_160 = arith.constant 0 : i32
      %dma_wait3A_161 = tpu.memref_slice %arg2[%add3A_159, %dma_wait3A_160] : memref<204800x128xf32, #tpu.memory_space<hbm>> -> memref<256x128xf32, #tpu.memory_space<hbm>>
      %dma_wait3A_162 = arith.constant 0 : i32
      %dma_wait3A_163 = tpu.memref_slice %arg2[%add3A_159, %dma_wait3A_162] : memref<204800x128xf32, #tpu.memory_space<hbm>> -> memref<256x128xf32, #tpu.memory_space<hbm>>
      tpu.wait_dma2 semaphore(%arg22 : memref<!tpu.dma_semaphore, #tpu.memory_space<semaphore_mem>>) src(%dma_wait3A_163 : memref<256x128xf32, #tpu.memory_space<hbm>>) dst(%arg10 : memref<256x128xf32, #tpu.memory_space<vmem>>)
      %mul3A_164 = arith.constant 256 : i32
      %mul3A_165 = arith.muli %add3A_156, %mul3A_164 : i32
      %add3A_166 = arith.constant 0 : i32
      %add3A_167 = arith.addi %mul3A_165, %add3A_166 : i32
      %mul3A_168 = arith.constant 256 : i32
      %mul3A_169 = arith.muli %add3A_156, %mul3A_168 : i32
      %add3A_170 = arith.constant 128 : i32
      %add3A_171 = arith.addi %mul3A_169, %add3A_170 : i32
      %mul3A_172 = arith.constant 256 : i32
      %mul3A_173 = arith.muli %add3A_156, %mul3A_172 : i32
      %add3A_174 = arith.constant 0 : i32
      %add3A_175 = arith.addi %mul3A_173, %add3A_174 : i32
      %mul3A_176 = arith.constant 256 : i32
      %mul3A_177 = arith.muli %add3A_156, %mul3A_176 : i32
      %add3A_178 = arith.constant 128 : i32
      %add3A_179 = arith.addi %mul3A_177, %add3A_178 : i32
      %dma_start3A_180 = arith.constant 0 : i32
      %dma_start3A_181 = arith.constant 0 : i32
      %dma_start3A_182 = tpu.memref_slice %arg10[%dma_start3A_180, %dma_start3A_181] : memref<256x128xf32, #tpu.memory_space<vmem>> -> memref<128x128xf32, #tpu.memory_space<vmem>>
      %dma_start3A_183 = tpu.memref_slice %arg8[%add3A_167] : memref<6400xi32, #tpu.memory_space<vmem>> -> memref<128xi32, #tpu.memory_space<vmem>>
      %dma_start3A_184 = arith.constant 0 : i32
      %dma_start3A_185 = arith.constant 0 : i32
      %dma_start3A_186 = tpu.memref_slice %arg14[%dma_start3A_184, %dma_start3A_185] : memref<32x128xf32, #tpu.memory_space<vmem_shared>> -> memref<32x128xf32, #tpu.memory_space<vmem_shared>>
      tpu.enqueue_indirect_dma source(%dma_start3A_186 : memref<32x128xf32, #tpu.memory_space<vmem_shared>>) target(%dma_start3A_182 : memref<128x128xf32, #tpu.memory_space<vmem>>) offsets(%dma_start3A_183 : memref<128xi32, #tpu.memory_space<vmem>>) semaphore(%arg16 : memref<!tpu.dma_semaphore, #tpu.memory_space<semaphore_mem>>) {add = true}
      %dma_start3A_187 = arith.constant 128 : i32
      %dma_start3A_188 = arith.constant 0 : i32
      %dma_start3A_189 = tpu.memref_slice %arg10[%dma_start3A_187, %dma_start3A_188] : memref<256x128xf32, #tpu.memory_space<vmem>> -> memref<128x128xf32, #tpu.memory_space<vmem>>
      %dma_start3A_190 = tpu.memref_slice %arg8[%add3A_171] : memref<6400xi32, #tpu.memory_space<vmem>> -> memref<128xi32, #tpu.memory_space<vmem>>
      %dma_start3A_191 = arith.constant 0 : i32
      %dma_start3A_192 = arith.constant 0 : i32
      %dma_start3A_193 = tpu.memref_slice %arg14[%dma_start3A_191, %dma_start3A_192] : memref<32x128xf32, #tpu.memory_space<vmem_shared>> -> memref<32x128xf32, #tpu.memory_space<vmem_shared>>
      tpu.enqueue_indirect_dma source(%dma_start3A_193 : memref<32x128xf32, #tpu.memory_space<vmem_shared>>) target(%dma_start3A_189 : memref<128x128xf32, #tpu.memory_space<vmem>>) offsets(%dma_start3A_190 : memref<128xi32, #tpu.memory_space<vmem>>) semaphore(%arg16 : memref<!tpu.dma_semaphore, #tpu.memory_space<semaphore_mem>>) {add = true}
      %dma_start3A_194 = arith.constant 0 : i32
      %dma_start3A_195 = arith.constant 0 : i32
      %dma_start3A_196 = tpu.memref_slice %arg10[%dma_start3A_194, %dma_start3A_195] : memref<256x128xf32, #tpu.memory_space<vmem>> -> memref<128x128xf32, #tpu.memory_space<vmem>>
      %dma_start3A_197 = tpu.memref_slice %arg9[%add3A_175] : memref<6400xi32, #tpu.memory_space<vmem>> -> memref<128xi32, #tpu.memory_space<vmem>>
      %dma_start3A_198 = arith.constant 0 : i32
      %dma_start3A_199 = arith.constant 0 : i32
      %dma_start3A_200 = tpu.memref_slice %arg15[%dma_start3A_198, %dma_start3A_199] : memref<1024x128xf32, #tpu.memory_space<vmem_shared>> -> memref<1024x128xf32, #tpu.memory_space<vmem_shared>>
      tpu.enqueue_indirect_dma source(%dma_start3A_200 : memref<1024x128xf32, #tpu.memory_space<vmem_shared>>) target(%dma_start3A_196 : memref<128x128xf32, #tpu.memory_space<vmem>>) offsets(%dma_start3A_197 : memref<128xi32, #tpu.memory_space<vmem>>) semaphore(%arg19 : memref<!tpu.dma_semaphore, #tpu.memory_space<semaphore_mem>>) {add = true}
      %dma_start3A_201 = arith.constant 128 : i32
      %dma_start3A_202 = arith.constant 0 : i32
      %dma_start3A_203 = tpu.memref_slice %arg10[%dma_start3A_201, %dma_start3A_202] : memref<256x128xf32, #tpu.memory_space<vmem>> -> memref<128x128xf32, #tpu.memory_space<vmem>>
      %dma_start3A_204 = tpu.memref_slice %arg9[%add3A_179] : memref<6400xi32, #tpu.memory_space<vmem>> -> memref<128xi32, #tpu.memory_space<vmem>>
      %dma_start3A_205 = arith.constant 0 : i32
      %dma_start3A_206 = arith.constant 0 : i32
      %dma_start3A_207 = tpu.memref_slice %arg15[%dma_start3A_205, %dma_start3A_206] : memref<1024x128xf32, #tpu.memory_space<vmem_shared>> -> memref<1024x128xf32, #tpu.memory_space<vmem_shared>>
      tpu.enqueue_indirect_dma source(%dma_start3A_207 : memref<1024x128xf32, #tpu.memory_space<vmem_shared>>) target(%dma_start3A_203 : memref<128x128xf32, #tpu.memory_space<vmem>>) offsets(%dma_start3A_204 : memref<128xi32, #tpu.memory_space<vmem>>) semaphore(%arg19 : memref<!tpu.dma_semaphore, #tpu.memory_space<semaphore_mem>>) {add = true}
      %ge3A = arith.constant 1 : i32
      %ge3A_208 = arith.cmpi sge, %add3A_156, %ge3A : i32
      %convert_element_type3A_209 = arith.extui %ge3A_208 : i1 to i32
      %cond3A_210 = arith.constant 0 : i32
      %cond3A_211 = arith.cmpi ne, %convert_element_type3A_209, %cond3A_210 : i32
      scf.if %cond3A_211 {
        %sub3A = arith.constant 1 : i32
        %sub3A_367 = arith.subi %add3A_156, %sub3A : i32
        %mul3A_368 = arith.constant 256 : i32
        %mul3A_369 = arith.muli %sub3A_367, %mul3A_368 : i32
        %add3A_370 = arith.constant 0 : i32
        %add3A_371 = arith.addi %mul3A_369, %add3A_370 : i32
        %mul3A_372 = arith.constant 256 : i32
        %mul3A_373 = arith.muli %sub3A_367, %mul3A_372 : i32
        %add3A_374 = arith.constant 128 : i32
        %add3A_375 = arith.addi %mul3A_373, %add3A_374 : i32
        %mul3A_376 = arith.constant 256 : i32
        %mul3A_377 = arith.muli %sub3A_367, %mul3A_376 : i32
        %add3A_378 = arith.constant 0 : i32
        %add3A_379 = arith.addi %mul3A_377, %add3A_378 : i32
        %mul3A_380 = arith.constant 256 : i32
        %mul3A_381 = arith.muli %sub3A_367, %mul3A_380 : i32
        %add3A_382 = arith.constant 128 : i32
        %add3A_383 = arith.addi %mul3A_381, %add3A_382 : i32
        %dma_wait3A_384 = arith.constant 0 : i32
        %dma_wait3A_385 = arith.constant 0 : i32
        %dma_wait3A_386 = tpu.memref_slice %arg12[%dma_wait3A_384, %dma_wait3A_385] : memref<256x128xf32, #tpu.memory_space<vmem>> -> memref<128x128xf32, #tpu.memory_space<vmem>>
        %dma_wait3A_387 = tpu.memref_slice %arg8[%add3A_371] : memref<6400xi32, #tpu.memory_space<vmem>> -> memref<128xi32, #tpu.memory_space<vmem>>
        %dma_wait3A_388 = arith.constant 0 : i32
        %dma_wait3A_389 = arith.constant 0 : i32
        %dma_wait3A_390 = tpu.memref_slice %arg14[%dma_wait3A_388, %dma_wait3A_389] : memref<32x128xf32, #tpu.memory_space<vmem_shared>> -> memref<32x128xf32, #tpu.memory_space<vmem_shared>>
        tpu.wait_indirect_dma semaphore(%arg18 : memref<!tpu.dma_semaphore, #tpu.memory_space<semaphore_mem>>) src(%dma_wait3A_390 : memref<32x128xf32, #tpu.memory_space<vmem_shared>>) dst(%dma_wait3A_386 : memref<128x128xf32, #tpu.memory_space<vmem>>)
        %dma_wait3A_391 = arith.constant 128 : i32
        %dma_wait3A_392 = arith.constant 0 : i32
        %dma_wait3A_393 = tpu.memref_slice %arg12[%dma_wait3A_391, %dma_wait3A_392] : memref<256x128xf32, #tpu.memory_space<vmem>> -> memref<128x128xf32, #tpu.memory_space<vmem>>
        %dma_wait3A_394 = tpu.memref_slice %arg8[%add3A_375] : memref<6400xi32, #tpu.memory_space<vmem>> -> memref<128xi32, #tpu.memory_space<vmem>>
        %dma_wait3A_395 = arith.constant 0 : i32
        %dma_wait3A_396 = arith.constant 0 : i32
        %dma_wait3A_397 = tpu.memref_slice %arg14[%dma_wait3A_395, %dma_wait3A_396] : memref<32x128xf32, #tpu.memory_space<vmem_shared>> -> memref<32x128xf32, #tpu.memory_space<vmem_shared>>
        tpu.wait_indirect_dma semaphore(%arg18 : memref<!tpu.dma_semaphore, #tpu.memory_space<semaphore_mem>>) src(%dma_wait3A_397 : memref<32x128xf32, #tpu.memory_space<vmem_shared>>) dst(%dma_wait3A_393 : memref<128x128xf32, #tpu.memory_space<vmem>>)
        %dma_wait3A_398 = arith.constant 0 : i32
        %dma_wait3A_399 = arith.constant 0 : i32
        %dma_wait3A_400 = tpu.memref_slice %arg12[%dma_wait3A_398, %dma_wait3A_399] : memref<256x128xf32, #tpu.memory_space<vmem>> -> memref<128x128xf32, #tpu.memory_space<vmem>>
        %dma_wait3A_401 = tpu.memref_slice %arg9[%add3A_379] : memref<6400xi32, #tpu.memory_space<vmem>> -> memref<128xi32, #tpu.memory_space<vmem>>
        %dma_wait3A_402 = arith.constant 0 : i32
        %dma_wait3A_403 = arith.constant 0 : i32
        %dma_wait3A_404 = tpu.memref_slice %arg15[%dma_wait3A_402, %dma_wait3A_403] : memref<1024x128xf32, #tpu.memory_space<vmem_shared>> -> memref<1024x128xf32, #tpu.memory_space<vmem_shared>>
        tpu.wait_indirect_dma semaphore(%arg21 : memref<!tpu.dma_semaphore, #tpu.memory_space<semaphore_mem>>) src(%dma_wait3A_404 : memref<1024x128xf32, #tpu.memory_space<vmem_shared>>) dst(%dma_wait3A_400 : memref<128x128xf32, #tpu.memory_space<vmem>>)
        %dma_wait3A_405 = arith.constant 128 : i32
        %dma_wait3A_406 = arith.constant 0 : i32
        %dma_wait3A_407 = tpu.memref_slice %arg12[%dma_wait3A_405, %dma_wait3A_406] : memref<256x128xf32, #tpu.memory_space<vmem>> -> memref<128x128xf32, #tpu.memory_space<vmem>>
        %dma_wait3A_408 = tpu.memref_slice %arg9[%add3A_383] : memref<6400xi32, #tpu.memory_space<vmem>> -> memref<128xi32, #tpu.memory_space<vmem>>
        %dma_wait3A_409 = arith.constant 0 : i32
        %dma_wait3A_410 = arith.constant 0 : i32
        %dma_wait3A_411 = tpu.memref_slice %arg15[%dma_wait3A_409, %dma_wait3A_410] : memref<1024x128xf32, #tpu.memory_space<vmem_shared>> -> memref<1024x128xf32, #tpu.memory_space<vmem_shared>>
        tpu.wait_indirect_dma semaphore(%arg21 : memref<!tpu.dma_semaphore, #tpu.memory_space<semaphore_mem>>) src(%dma_wait3A_411 : memref<1024x128xf32, #tpu.memory_space<vmem_shared>>) dst(%dma_wait3A_407 : memref<128x128xf32, #tpu.memory_space<vmem>>)
        %eq3A_412 = arith.constant 0 : i32
        %eq3A_413 = arith.cmpi eq, %add3A, %eq3A_412 : i32
        %eq3A_414 = arith.constant 1 : i32
        %eq3A_415 = arith.cmpi eq, %add3A_156, %eq3A_414 : i32
        %and3A_416 = arith.andi %eq3A_413, %eq3A_415 : i1
        %convert_element_type3A_417 = arith.extui %and3A_416 : i1 to i32
        %cond3A_418 = arith.constant 0 : i32
        %cond3A_419 = arith.cmpi ne, %convert_element_type3A_417, %cond3A_418 : i32
        scf.if %cond3A_419 {
          %get3A = arith.constant 0 : index
          %get3A_429 = tpu.vector_load %arg9[%get3A] {strides = array<i32>} : memref<6400xi32, #tpu.memory_space<vmem>>, vector<16xi32>,
          %get3A_430 = vector.shape_cast %get3A_429 : vector<16xi32> to vector<16xi32>
          %slice3A = vector.extract_strided_slice %get3A_430 {offsets = [0], sizes = [1], strides = [1]} : vector<16xi32> to vector<1xi32>
          %squeeze3A = vector.extract %slice3A[0] : i32 from vector<1xi32>
          "tpu.region"() ({
            %run_scoped3A = tpu.sem_alloc : memref<!tpu.dma_semaphore, #tpu.memory_space<semaphore_mem>>
            %dma_start3A_566 = arith.constant 0 : i32
            %dma_start3A_567 = tpu.memref_slice %arg15[%squeeze3A, %dma_start3A_566] : memref<1024x128xf32, #tpu.memory_space<vmem_shared>> -> memref<1x128xf32, #tpu.memory_space<vmem_shared>>
            %dma_start3A_568 = arith.constant 0 : i32
            %dma_start3A_569 = tpu.memref_slice %arg15[%squeeze3A, %dma_start3A_568] : memref<1024x128xf32, #tpu.memory_space<vmem_shared>> -> memref<1x128xf32, #tpu.memory_space<vmem_shared>>
            tpu.enqueue_dma source(%dma_start3A_569 : memref<1x128xf32, #tpu.memory_space<vmem_shared>>) target(%arg13 : memref<1x128xf32, #tpu.memory_space<vmem>>) target_semaphore(%run_scoped3A : memref<!tpu.dma_semaphore, #tpu.memory_space<semaphore_mem>>)
            %dma_wait3A_570 = arith.constant 0 : i32
            %dma_wait3A_571 = tpu.memref_slice %arg15[%squeeze3A, %dma_wait3A_570] : memref<1024x128xf32, #tpu.memory_space<vmem_shared>> -> memref<1x128xf32, #tpu.memory_space<vmem_shared>>
            %dma_wait3A_572 = arith.constant 0 : i32
            %dma_wait3A_573 = tpu.memref_slice %arg15[%squeeze3A, %dma_wait3A_572] : memref<1024x128xf32, #tpu.memory_space<vmem_shared>> -> memref<1x128xf32, #tpu.memory_space<vmem_shared>>
            tpu.wait_dma2 semaphore(%run_scoped3A : memref<!tpu.dma_semaphore, #tpu.memory_space<semaphore_mem>>) src(%dma_wait3A_573 : memref<1x128xf32, #tpu.memory_space<vmem_shared>>) dst(%arg13 : memref<1x128xf32, #tpu.memory_space<vmem>>)
            tpu.yield
          }) : () -> ()
          %get3A_431 = arith.constant 0 : i32
          %get3A_432 = arith.index_cast %get3A_431 : i32 to index
          %get3A_433 = arith.constant 0 : index
          %get3A_434 = tpu.vector_load %arg10[%get3A_432, %get3A_433] {strides = array<i32>} : memref<256x128xf32, #tpu.memory_space<vmem>>, vector<1x16xf32>,
          %get3A_435 = vector.shape_cast %get3A_434 : vector<1x16xf32> to vector<16xf32>
          %get3A_436 = arith.constant 0 : i32
          %get3A_437 = arith.index_cast %get3A_436 : i32 to index
          %get3A_438 = arith.constant 0 : index
          %get3A_439 = tpu.vector_load %arg13[%get3A_437, %get3A_438] {strides = array<i32>} : memref<1x128xf32, #tpu.memory_space<vmem>>, vector<1x16xf32>,
          %get3A_440 = vector.shape_cast %get3A_439 : vector<1x16xf32> to vector<16xf32>
          %sub3A_441 = arith.subf %get3A_435, %get3A_440 : vector<16xf32>
          %swap3A = arith.constant 0 : i32
          %swap3A_442 = arith.index_cast %swap3A : i32 to index
          %swap3A_443 = arith.constant 0 : index
          %swap3A_444 = tpu.vector_load %arg10[%swap3A_442, %swap3A_443] {strides = array<i32>} : memref<256x128xf32, #tpu.memory_space<vmem>>, vector<1x16xf32>,
          %swap3A_445 = vector.shape_cast %swap3A_444 : vector<1x16xf32> to vector<16xf32>
          %swap3A_446 = vector.shape_cast %sub3A_441 : vector<16xf32> to vector<1x16xf32>
          tpu.vector_store %arg10[%swap3A_442, %swap3A_443], %swap3A_446 {strides = array<i32>} : memref<256x128xf32, #tpu.memory_space<vmem>>, vector<1x16xf32>,
          %get3A_447 = arith.constant 0 : i32
          %get3A_448 = arith.index_cast %get3A_447 : i32 to index
          %get3A_449 = arith.constant 16 : index
          %get3A_450 = tpu.vector_load %arg10[%get3A_448, %get3A_449] {strides = array<i32>} : memref<256x128xf32, #tpu.memory_space<vmem>>, vector<1x16xf32>,
          %get3A_451 = vector.shape_cast %get3A_450 : vector<1x16xf32> to vector<16xf32>
          %get3A_452 = arith.constant 0 : i32
          %get3A_453 = arith.index_cast %get3A_452 : i32 to index
          %get3A_454 = arith.constant 16 : index
          %get3A_455 = tpu.vector_load %arg13[%get3A_453, %get3A_454] {strides = array<i32>} : memref<1x128xf32, #tpu.memory_space<vmem>>, vector<1x16xf32>,
          %get3A_456 = vector.shape_cast %get3A_455 : vector<1x16xf32> to vector<16xf32>
          %sub3A_457 = arith.subf %get3A_451, %get3A_456 : vector<16xf32>
          %swap3A_458 = arith.constant 0 : i32
          %swap3A_459 = arith.index_cast %swap3A_458 : i32 to index
          %swap3A_460 = arith.constant 16 : index
          %swap3A_461 = tpu.vector_load %arg10[%swap3A_459, %swap3A_460] {strides = array<i32>} : memref<256x128xf32, #tpu.memory_space<vmem>>, vector<1x16xf32>,
          %swap3A_462 = vector.shape_cast %swap3A_461 : vector<1x16xf32> to vector<16xf32>
          %swap3A_463 = vector.shape_cast %sub3A_457 : vector<16xf32> to vector<1x16xf32>
          tpu.vector_store %arg10[%swap3A_459, %swap3A_460], %swap3A_463 {strides = array<i32>} : memref<256x128xf32, #tpu.memory_space<vmem>>, vector<1x16xf32>,
          %get3A_464 = arith.constant 0 : i32
          %get3A_465 = arith.index_cast %get3A_464 : i32 to index
          %get3A_466 = arith.constant 32 : index
          %get3A_467 = tpu.vector_load %arg10[%get3A_465, %get3A_466] {strides = array<i32>} : memref<256x128xf32, #tpu.memory_space<vmem>>, vector<1x16xf32>,
          %get3A_468 = vector.shape_cast %get3A_467 : vector<1x16xf32> to vector<16xf32>
          %get3A_469 = arith.constant 0 : i32
          %get3A_470 = arith.index_cast %get3A_469 : i32 to index
          %get3A_471 = arith.constant 32 : index
          %get3A_472 = tpu.vector_load %arg13[%get3A_470, %get3A_471] {strides = array<i32>} : memref<1x128xf32, #tpu.memory_space<vmem>>, vector<1x16xf32>,
          %get3A_473 = vector.shape_cast %get3A_472 : vector<1x16xf32> to vector<16xf32>
          %sub3A_474 = arith.subf %get3A_468, %get3A_473 : vector<16xf32>
          %swap3A_475 = arith.constant 0 : i32
          %swap3A_476 = arith.index_cast %swap3A_475 : i32 to index
          %swap3A_477 = arith.constant 32 : index
          %swap3A_478 = tpu.vector_load %arg10[%swap3A_476, %swap3A_477] {strides = array<i32>} : memref<256x128xf32, #tpu.memory_space<vmem>>, vector<1x16xf32>,
          %swap3A_479 = vector.shape_cast %swap3A_478 : vector<1x16xf32> to vector<16xf32>
          %swap3A_480 = vector.shape_cast %sub3A_474 : vector<16xf32> to vector<1x16xf32>
          tpu.vector_store %arg10[%swap3A_476, %swap3A_477], %swap3A_480 {strides = array<i32>} : memref<256x128xf32, #tpu.memory_space<vmem>>, vector<1x16xf32>,
          %get3A_481 = arith.constant 0 : i32
          %get3A_482 = arith.index_cast %get3A_481 : i32 to index
          %get3A_483 = arith.constant 48 : index
          %get3A_484 = tpu.vector_load %arg10[%get3A_482, %get3A_483] {strides = array<i32>} : memref<256x128xf32, #tpu.memory_space<vmem>>, vector<1x16xf32>,
          %get3A_485 = vector.shape_cast %get3A_484 : vector<1x16xf32> to vector<16xf32>
          %get3A_486 = arith.constant 0 : i32
          %get3A_487 = arith.index_cast %get3A_486 : i32 to index
          %get3A_488 = arith.constant 48 : index
          %get3A_489 = tpu.vector_load %arg13[%get3A_487, %get3A_488] {strides = array<i32>} : memref<1x128xf32, #tpu.memory_space<vmem>>, vector<1x16xf32>,
          %get3A_490 = vector.shape_cast %get3A_489 : vector<1x16xf32> to vector<16xf32>
          %sub3A_491 = arith.subf %get3A_485, %get3A_490 : vector<16xf32>
          %swap3A_492 = arith.constant 0 : i32
          %swap3A_493 = arith.index_cast %swap3A_492 : i32 to index
          %swap3A_494 = arith.constant 48 : index
          %swap3A_495 = tpu.vector_load %arg10[%swap3A_493, %swap3A_494] {strides = array<i32>} : memref<256x128xf32, #tpu.memory_space<vmem>>, vector<1x16xf32>,
          %swap3A_496 = vector.shape_cast %swap3A_495 : vector<1x16xf32> to vector<16xf32>
          %swap3A_497 = vector.shape_cast %sub3A_491 : vector<16xf32> to vector<1x16xf32>
          tpu.vector_store %arg10[%swap3A_493, %swap3A_494], %swap3A_497 {strides = array<i32>} : memref<256x128xf32, #tpu.memory_space<vmem>>, vector<1x16xf32>,
          %get3A_498 = arith.constant 0 : i32
          %get3A_499 = arith.index_cast %get3A_498 : i32 to index
          %get3A_500 = arith.constant 64 : index
          %get3A_501 = tpu.vector_load %arg10[%get3A_499, %get3A_500] {strides = array<i32>} : memref<256x128xf32, #tpu.memory_space<vmem>>, vector<1x16xf32>,
          %get3A_502 = vector.shape_cast %get3A_501 : vector<1x16xf32> to vector<16xf32>
          %get3A_503 = arith.constant 0 : i32
          %get3A_504 = arith.index_cast %get3A_503 : i32 to index
          %get3A_505 = arith.constant 64 : index
          %get3A_506 = tpu.vector_load %arg13[%get3A_504, %get3A_505] {strides = array<i32>} : memref<1x128xf32, #tpu.memory_space<vmem>>, vector<1x16xf32>,
          %get3A_507 = vector.shape_cast %get3A_506 : vector<1x16xf32> to vector<16xf32>
          %sub3A_508 = arith.subf %get3A_502, %get3A_507 : vector<16xf32>
          %swap3A_509 = arith.constant 0 : i32
          %swap3A_510 = arith.index_cast %swap3A_509 : i32 to index
          %swap3A_511 = arith.constant 64 : index
          %swap3A_512 = tpu.vector_load %arg10[%swap3A_510, %swap3A_511] {strides = array<i32>} : memref<256x128xf32, #tpu.memory_space<vmem>>, vector<1x16xf32>,
          %swap3A_513 = vector.shape_cast %swap3A_512 : vector<1x16xf32> to vector<16xf32>
          %swap3A_514 = vector.shape_cast %sub3A_508 : vector<16xf32> to vector<1x16xf32>
          tpu.vector_store %arg10[%swap3A_510, %swap3A_511], %swap3A_514 {strides = array<i32>} : memref<256x128xf32, #tpu.memory_space<vmem>>, vector<1x16xf32>,
          %get3A_515 = arith.constant 0 : i32
          %get3A_516 = arith.index_cast %get3A_515 : i32 to index
          %get3A_517 = arith.constant 80 : index
          %get3A_518 = tpu.vector_load %arg10[%get3A_516, %get3A_517] {strides = array<i32>} : memref<256x128xf32, #tpu.memory_space<vmem>>, vector<1x16xf32>,
          %get3A_519 = vector.shape_cast %get3A_518 : vector<1x16xf32> to vector<16xf32>
          %get3A_520 = arith.constant 0 : i32
          %get3A_521 = arith.index_cast %get3A_520 : i32 to index
          %get3A_522 = arith.constant 80 : index
          %get3A_523 = tpu.vector_load %arg13[%get3A_521, %get3A_522] {strides = array<i32>} : memref<1x128xf32, #tpu.memory_space<vmem>>, vector<1x16xf32>,
          %get3A_524 = vector.shape_cast %get3A_523 : vector<1x16xf32> to vector<16xf32>
          %sub3A_525 = arith.subf %get3A_519, %get3A_524 : vector<16xf32>
          %swap3A_526 = arith.constant 0 : i32
          %swap3A_527 = arith.index_cast %swap3A_526 : i32 to index
          %swap3A_528 = arith.constant 80 : index
          %swap3A_529 = tpu.vector_load %arg10[%swap3A_527, %swap3A_528] {strides = array<i32>} : memref<256x128xf32, #tpu.memory_space<vmem>>, vector<1x16xf32>,
          %swap3A_530 = vector.shape_cast %swap3A_529 : vector<1x16xf32> to vector<16xf32>
          %swap3A_531 = vector.shape_cast %sub3A_525 : vector<16xf32> to vector<1x16xf32>
          tpu.vector_store %arg10[%swap3A_527, %swap3A_528], %swap3A_531 {strides = array<i32>} : memref<256x128xf32, #tpu.memory_space<vmem>>, vector<1x16xf32>,
          %get3A_532 = arith.constant 0 : i32
          %get3A_533 = arith.index_cast %get3A_532 : i32 to index
          %get3A_534 = arith.constant 96 : index
          %get3A_535 = tpu.vector_load %arg10[%get3A_533, %get3A_534] {strides = array<i32>} : memref<256x128xf32, #tpu.memory_space<vmem>>, vector<1x16xf32>,
          %get3A_536 = vector.shape_cast %get3A_535 : vector<1x16xf32> to vector<16xf32>
          %get3A_537 = arith.constant 0 : i32
          %get3A_538 = arith.index_cast %get3A_537 : i32 to index
          %get3A_539 = arith.constant 96 : index
          %get3A_540 = tpu.vector_load %arg13[%get3A_538, %get3A_539] {strides = array<i32>} : memref<1x128xf32, #tpu.memory_space<vmem>>, vector<1x16xf32>,
          %get3A_541 = vector.shape_cast %get3A_540 : vector<1x16xf32> to vector<16xf32>
          %sub3A_542 = arith.subf %get3A_536, %get3A_541 : vector<16xf32>
          %swap3A_543 = arith.constant 0 : i32
          %swap3A_544 = arith.index_cast %swap3A_543 : i32 to index
          %swap3A_545 = arith.constant 96 : index
          %swap3A_546 = tpu.vector_load %arg10[%swap3A_544, %swap3A_545] {strides = array<i32>} : memref<256x128xf32, #tpu.memory_space<vmem>>, vector<1x16xf32>,
          %swap3A_547 = vector.shape_cast %swap3A_546 : vector<1x16xf32> to vector<16xf32>
          %swap3A_548 = vector.shape_cast %sub3A_542 : vector<16xf32> to vector<1x16xf32>
          tpu.vector_store %arg10[%swap3A_544, %swap3A_545], %swap3A_548 {strides = array<i32>} : memref<256x128xf32, #tpu.memory_space<vmem>>, vector<1x16xf32>,
          %get3A_549 = arith.constant 0 : i32
          %get3A_550 = arith.index_cast %get3A_549 : i32 to index
          %get3A_551 = arith.constant 112 : index
          %get3A_552 = tpu.vector_load %arg10[%get3A_550, %get3A_551] {strides = array<i32>} : memref<256x128xf32, #tpu.memory_space<vmem>>, vector<1x16xf32>,
          %get3A_553 = vector.shape_cast %get3A_552 : vector<1x16xf32> to vector<16xf32>
          %get3A_554 = arith.constant 0 : i32
          %get3A_555 = arith.index_cast %get3A_554 : i32 to index
          %get3A_556 = arith.constant 112 : index
          %get3A_557 = tpu.vector_load %arg13[%get3A_555, %get3A_556] {strides = array<i32>} : memref<1x128xf32, #tpu.memory_space<vmem>>, vector<1x16xf32>,
          %get3A_558 = vector.shape_cast %get3A_557 : vector<1x16xf32> to vector<16xf32>
          %sub3A_559 = arith.subf %get3A_553, %get3A_558 : vector<16xf32>
          %swap3A_560 = arith.constant 0 : i32
          %swap3A_561 = arith.index_cast %swap3A_560 : i32 to index
          %swap3A_562 = arith.constant 112 : index
          %swap3A_563 = tpu.vector_load %arg10[%swap3A_561, %swap3A_562] {strides = array<i32>} : memref<256x128xf32, #tpu.memory_space<vmem>>, vector<1x16xf32>,
          %swap3A_564 = vector.shape_cast %swap3A_563 : vector<1x16xf32> to vector<16xf32>
          %swap3A_565 = vector.shape_cast %sub3A_559 : vector<16xf32> to vector<1x16xf32>
          tpu.vector_store %arg10[%swap3A_561, %swap3A_562], %swap3A_565 {strides = array<i32>} : memref<256x128xf32, #tpu.memory_space<vmem>>, vector<1x16xf32>,
        } else {
        }
        %sub3A_420 = arith.constant 1 : i32
        %sub3A_421 = arith.subi %add3A_156, %sub3A_420 : i32
        %mul3A_422 = arith.constant 256 : i32
        %mul3A_423 = arith.muli %sub3A_421, %mul3A_422 : i32
        %add3A_424 = arith.addi %mul3A_2, %mul3A_423 : i32
        %dma_start3A_425 = arith.constant 0 : i32
        %dma_start3A_426 = tpu.memref_slice %arg7[%add3A_424, %dma_start3A_425] : memref<204800x128xf32, #tpu.memory_space<hbm>> -> memref<256x128xf32, #tpu.memory_space<hbm>>
        %dma_start3A_427 = arith.constant 0 : i32
        %dma_start3A_428 = tpu.memref_slice %arg7[%add3A_424, %dma_start3A_427] : memref<204800x128xf32, #tpu.memory_space<hbm>> -> memref<256x128xf32, #tpu.memory_space<hbm>>
        tpu.enqueue_dma source(%arg12 : memref<256x128xf32, #tpu.memory_space<vmem>>) target(%dma_start3A_428 : memref<256x128xf32, #tpu.memory_space<hbm>>) target_semaphore(%arg27 : memref<!tpu.dma_semaphore, #tpu.memory_space<semaphore_mem>>)
      } else {
      }
      %ge3A_212 = arith.constant 2 : i32
      %ge3A_213 = arith.cmpi sge, %add3A_156, %ge3A_212 : i32
      %convert_element_type3A_214 = arith.extui %ge3A_213 : i1 to i32
      %cond3A_215 = arith.constant 0 : i32
      %cond3A_216 = arith.cmpi ne, %convert_element_type3A_214, %cond3A_215 : i32
      scf.if %cond3A_216 {
        %sub3A = arith.constant 2 : i32
        %sub3A_367 = arith.subi %add3A_156, %sub3A : i32
        %mul3A_368 = arith.constant 256 : i32
        %mul3A_369 = arith.muli %sub3A_367, %mul3A_368 : i32
        %add3A_370 = arith.addi %mul3A_2, %mul3A_369 : i32
        %dma_wait3A_371 = arith.constant 0 : i32
        %dma_wait3A_372 = tpu.memref_slice %arg7[%add3A_370, %dma_wait3A_371] : memref<204800x128xf32, #tpu.memory_space<hbm>> -> memref<256x128xf32, #tpu.memory_space<hbm>>
        %dma_wait3A_373 = arith.constant 0 : i32
        %dma_wait3A_374 = tpu.memref_slice %arg7[%add3A_370, %dma_wait3A_373] : memref<204800x128xf32, #tpu.memory_space<hbm>> -> memref<256x128xf32, #tpu.memory_space<hbm>>
        tpu.wait_dma2 semaphore(%arg26 : memref<!tpu.dma_semaphore, #tpu.memory_space<semaphore_mem>>) src(%arg11 : memref<256x128xf32, #tpu.memory_space<vmem>>) dst(%dma_wait3A_374 : memref<256x128xf32, #tpu.memory_space<hbm>>)
      } else {
      }
      %add3A_217 = arith.constant 1 : i32
      %add3A_218 = arith.addi %add3A_156, %add3A_217 : i32
      %lt3A = arith.constant 25 : i32
      %lt3A_219 = arith.cmpi slt, %add3A_218, %lt3A : i32
      %convert_element_type3A_220 = arith.extui %lt3A_219 : i1 to i32
      %cond3A_221 = arith.constant 0 : i32
      %cond3A_222 = arith.cmpi ne, %convert_element_type3A_220, %cond3A_221 : i32
      scf.if %cond3A_222 {
        %add3A_367 = arith.constant 1 : i32
        %add3A_368 = arith.addi %add3A_156, %add3A_367 : i32
        %mul3A_369 = arith.constant 256 : i32
        %mul3A_370 = arith.muli %add3A_368, %mul3A_369 : i32
        %add3A_371 = arith.addi %mul3A_2, %mul3A_370 : i32
        %dma_start3A_372 = arith.constant 0 : i32
        %dma_start3A_373 = tpu.memref_slice %arg2[%add3A_371, %dma_start3A_372] : memref<204800x128xf32, #tpu.memory_space<hbm>> -> memref<256x128xf32, #tpu.memory_space<hbm>>
        %dma_start3A_374 = arith.constant 0 : i32
        %dma_start3A_375 = tpu.memref_slice %arg2[%add3A_371, %dma_start3A_374] : memref<204800x128xf32, #tpu.memory_space<hbm>> -> memref<256x128xf32, #tpu.memory_space<hbm>>
        tpu.enqueue_dma source(%dma_start3A_375 : memref<256x128xf32, #tpu.memory_space<hbm>>) target(%arg11 : memref<256x128xf32, #tpu.memory_space<vmem>>) target_semaphore(%arg23 : memref<!tpu.dma_semaphore, #tpu.memory_space<semaphore_mem>>)
      } else {
      }
      %mul3A_223 = arith.constant 3 : i32
      %mul3A_224 = arith.muli %mul3A_223, %scan3A_152 : i32
      %add3A_225 = arith.constant 1 : i32
      %add3A_226 = arith.addi %mul3A_224, %add3A_225 : i32
      %mul3A_227 = arith.constant 256 : i32
      %mul3A_228 = arith.muli %add3A_226, %mul3A_227 : i32
      %add3A_229 = arith.addi %mul3A_2, %mul3A_228 : i32
      %dma_wait3A_230 = arith.constant 0 : i32
      %dma_wait3A_231 = tpu.memref_slice %arg2[%add3A_229, %dma_wait3A_230] : memref<204800x128xf32, #tpu.memory_space<hbm>> -> memref<256x128xf32, #tpu.memory_space<hbm>>
      %dma_wait3A_232 = arith.constant 0 : i32
      %dma_wait3A_233 = tpu.memref_slice %arg2[%add3A_229, %dma_wait3A_232] : memref<204800x128xf32, #tpu.memory_space<hbm>> -> memref<256x128xf32, #tpu.memory_space<hbm>>
      tpu.wait_dma2 semaphore(%arg23 : memref<!tpu.dma_semaphore, #tpu.memory_space<semaphore_mem>>) src(%dma_wait3A_233 : memref<256x128xf32, #tpu.memory_space<hbm>>) dst(%arg11 : memref<256x128xf32, #tpu.memory_space<vmem>>)
      %mul3A_234 = arith.constant 256 : i32
      %mul3A_235 = arith.muli %add3A_226, %mul3A_234 : i32
      %add3A_236 = arith.constant 0 : i32
      %add3A_237 = arith.addi %mul3A_235, %add3A_236 : i32
      %mul3A_238 = arith.constant 256 : i32
      %mul3A_239 = arith.muli %add3A_226, %mul3A_238 : i32
      %add3A_240 = arith.constant 128 : i32
      %add3A_241 = arith.addi %mul3A_239, %add3A_240 : i32
      %mul3A_242 = arith.constant 256 : i32
      %mul3A_243 = arith.muli %add3A_226, %mul3A_242 : i32
      %add3A_244 = arith.constant 0 : i32
      %add3A_245 = arith.addi %mul3A_243, %add3A_244 : i32
      %mul3A_246 = arith.constant 256 : i32
      %mul3A_247 = arith.muli %add3A_226, %mul3A_246 : i32
      %add3A_248 = arith.constant 128 : i32
      %add3A_249 = arith.addi %mul3A_247, %add3A_248 : i32
      %dma_start3A_250 = arith.constant 0 : i32
      %dma_start3A_251 = arith.constant 0 : i32
      %dma_start3A_252 = tpu.memref_slice %arg11[%dma_start3A_250, %dma_start3A_251] : memref<256x128xf32, #tpu.memory_space<vmem>> -> memref<128x128xf32, #tpu.memory_space<vmem>>
      %dma_start3A_253 = tpu.memref_slice %arg8[%add3A_237] : memref<6400xi32, #tpu.memory_space<vmem>> -> memref<128xi32, #tpu.memory_space<vmem>>
      %dma_start3A_254 = arith.constant 0 : i32
      %dma_start3A_255 = arith.constant 0 : i32
      %dma_start3A_256 = tpu.memref_slice %arg14[%dma_start3A_254, %dma_start3A_255] : memref<32x128xf32, #tpu.memory_space<vmem_shared>> -> memref<32x128xf32, #tpu.memory_space<vmem_shared>>
      tpu.enqueue_indirect_dma source(%dma_start3A_256 : memref<32x128xf32, #tpu.memory_space<vmem_shared>>) target(%dma_start3A_252 : memref<128x128xf32, #tpu.memory_space<vmem>>) offsets(%dma_start3A_253 : memref<128xi32, #tpu.memory_space<vmem>>) semaphore(%arg17 : memref<!tpu.dma_semaphore, #tpu.memory_space<semaphore_mem>>) {add = true}
      %dma_start3A_257 = arith.constant 128 : i32
      %dma_start3A_258 = arith.constant 0 : i32
      %dma_start3A_259 = tpu.memref_slice %arg11[%dma_start3A_257, %dma_start3A_258] : memref<256x128xf32, #tpu.memory_space<vmem>> -> memref<128x128xf32, #tpu.memory_space<vmem>>
      %dma_start3A_260 = tpu.memref_slice %arg8[%add3A_241] : memref<6400xi32, #tpu.memory_space<vmem>> -> memref<128xi32, #tpu.memory_space<vmem>>
      %dma_start3A_261 = arith.constant 0 : i32
      %dma_start3A_262 = arith.constant 0 : i32
      %dma_start3A_263 = tpu.memref_slice %arg14[%dma_start3A_261, %dma_start3A_262] : memref<32x128xf32, #tpu.memory_space<vmem_shared>> -> memref<32x128xf32, #tpu.memory_space<vmem_shared>>
      tpu.enqueue_indirect_dma source(%dma_start3A_263 : memref<32x128xf32, #tpu.memory_space<vmem_shared>>) target(%dma_start3A_259 : memref<128x128xf32, #tpu.memory_space<vmem>>) offsets(%dma_start3A_260 : memref<128xi32, #tpu.memory_space<vmem>>) semaphore(%arg17 : memref<!tpu.dma_semaphore, #tpu.memory_space<semaphore_mem>>) {add = true}
      %dma_start3A_264 = arith.constant 0 : i32
      %dma_start3A_265 = arith.constant 0 : i32
      %dma_start3A_266 = tpu.memref_slice %arg11[%dma_start3A_264, %dma_start3A_265] : memref<256x128xf32, #tpu.memory_space<vmem>> -> memref<128x128xf32, #tpu.memory_space<vmem>>
      %dma_start3A_267 = tpu.memref_slice %arg9[%add3A_245] : memref<6400xi32, #tpu.memory_space<vmem>> -> memref<128xi32, #tpu.memory_space<vmem>>
      %dma_start3A_268 = arith.constant 0 : i32
      %dma_start3A_269 = arith.constant 0 : i32
      %dma_start3A_270 = tpu.memref_slice %arg15[%dma_start3A_268, %dma_start3A_269] : memref<1024x128xf32, #tpu.memory_space<vmem_shared>> -> memref<1024x128xf32, #tpu.memory_space<vmem_shared>>
      tpu.enqueue_indirect_dma source(%dma_start3A_270 : memref<1024x128xf32, #tpu.memory_space<vmem_shared>>) target(%dma_start3A_266 : memref<128x128xf32, #tpu.memory_space<vmem>>) offsets(%dma_start3A_267 : memref<128xi32, #tpu.memory_space<vmem>>) semaphore(%arg20 : memref<!tpu.dma_semaphore, #tpu.memory_space<semaphore_mem>>) {add = true}
      %dma_start3A_271 = arith.constant 128 : i32
      %dma_start3A_272 = arith.constant 0 : i32
      %dma_start3A_273 = tpu.memref_slice %arg11[%dma_start3A_271, %dma_start3A_272] : memref<256x128xf32, #tpu.memory_space<vmem>> -> memref<128x128xf32, #tpu.memory_space<vmem>>
      %dma_start3A_274 = tpu.memref_slice %arg9[%add3A_249] : memref<6400xi32, #tpu.memory_space<vmem>> -> memref<128xi32, #tpu.memory_space<vmem>>
      %dma_start3A_275 = arith.constant 0 : i32
      %dma_start3A_276 = arith.constant 0 : i32
      %dma_start3A_277 = tpu.memref_slice %arg15[%dma_start3A_275, %dma_start3A_276] : memref<1024x128xf32, #tpu.memory_space<vmem_shared>> -> memref<1024x128xf32, #tpu.memory_space<vmem_shared>>
      tpu.enqueue_indirect_dma source(%dma_start3A_277 : memref<1024x128xf32, #tpu.memory_space<vmem_shared>>) target(%dma_start3A_273 : memref<128x128xf32, #tpu.memory_space<vmem>>) offsets(%dma_start3A_274 : memref<128xi32, #tpu.memory_space<vmem>>) semaphore(%arg20 : memref<!tpu.dma_semaphore, #tpu.memory_space<semaphore_mem>>) {add = true}
      %ge3A_278 = arith.constant 1 : i32
      %ge3A_279 = arith.cmpi sge, %add3A_226, %ge3A_278 : i32
      %convert_element_type3A_280 = arith.extui %ge3A_279 : i1 to i32
      %cond3A_281 = arith.constant 0 : i32
      %cond3A_282 = arith.cmpi ne, %convert_element_type3A_280, %cond3A_281 : i32
      scf.if %cond3A_282 {
        %sub3A = arith.constant 1 : i32
        %sub3A_367 = arith.subi %add3A_226, %sub3A : i32
        %mul3A_368 = arith.constant 256 : i32
        %mul3A_369 = arith.muli %sub3A_367, %mul3A_368 : i32
        %add3A_370 = arith.constant 0 : i32
        %add3A_371 = arith.addi %mul3A_369, %add3A_370 : i32
        %mul3A_372 = arith.constant 256 : i32
        %mul3A_373 = arith.muli %sub3A_367, %mul3A_372 : i32
        %add3A_374 = arith.constant 128 : i32
        %add3A_375 = arith.addi %mul3A_373, %add3A_374 : i32
        %mul3A_376 = arith.constant 256 : i32
        %mul3A_377 = arith.muli %sub3A_367, %mul3A_376 : i32
        %add3A_378 = arith.constant 0 : i32
        %add3A_379 = arith.addi %mul3A_377, %add3A_378 : i32
        %mul3A_380 = arith.constant 256 : i32
        %mul3A_381 = arith.muli %sub3A_367, %mul3A_380 : i32
        %add3A_382 = arith.constant 128 : i32
        %add3A_383 = arith.addi %mul3A_381, %add3A_382 : i32
        %dma_wait3A_384 = arith.constant 0 : i32
        %dma_wait3A_385 = arith.constant 0 : i32
        %dma_wait3A_386 = tpu.memref_slice %arg10[%dma_wait3A_384, %dma_wait3A_385] : memref<256x128xf32, #tpu.memory_space<vmem>> -> memref<128x128xf32, #tpu.memory_space<vmem>>
        %dma_wait3A_387 = tpu.memref_slice %arg8[%add3A_371] : memref<6400xi32, #tpu.memory_space<vmem>> -> memref<128xi32, #tpu.memory_space<vmem>>
        %dma_wait3A_388 = arith.constant 0 : i32
        %dma_wait3A_389 = arith.constant 0 : i32
        %dma_wait3A_390 = tpu.memref_slice %arg14[%dma_wait3A_388, %dma_wait3A_389] : memref<32x128xf32, #tpu.memory_space<vmem_shared>> -> memref<32x128xf32, #tpu.memory_space<vmem_shared>>
        tpu.wait_indirect_dma semaphore(%arg16 : memref<!tpu.dma_semaphore, #tpu.memory_space<semaphore_mem>>) src(%dma_wait3A_390 : memref<32x128xf32, #tpu.memory_space<vmem_shared>>) dst(%dma_wait3A_386 : memref<128x128xf32, #tpu.memory_space<vmem>>)
        %dma_wait3A_391 = arith.constant 128 : i32
        %dma_wait3A_392 = arith.constant 0 : i32
        %dma_wait3A_393 = tpu.memref_slice %arg10[%dma_wait3A_391, %dma_wait3A_392] : memref<256x128xf32, #tpu.memory_space<vmem>> -> memref<128x128xf32, #tpu.memory_space<vmem>>
        %dma_wait3A_394 = tpu.memref_slice %arg8[%add3A_375] : memref<6400xi32, #tpu.memory_space<vmem>> -> memref<128xi32, #tpu.memory_space<vmem>>
        %dma_wait3A_395 = arith.constant 0 : i32
        %dma_wait3A_396 = arith.constant 0 : i32
        %dma_wait3A_397 = tpu.memref_slice %arg14[%dma_wait3A_395, %dma_wait3A_396] : memref<32x128xf32, #tpu.memory_space<vmem_shared>> -> memref<32x128xf32, #tpu.memory_space<vmem_shared>>
        tpu.wait_indirect_dma semaphore(%arg16 : memref<!tpu.dma_semaphore, #tpu.memory_space<semaphore_mem>>) src(%dma_wait3A_397 : memref<32x128xf32, #tpu.memory_space<vmem_shared>>) dst(%dma_wait3A_393 : memref<128x128xf32, #tpu.memory_space<vmem>>)
        %dma_wait3A_398 = arith.constant 0 : i32
        %dma_wait3A_399 = arith.constant 0 : i32
        %dma_wait3A_400 = tpu.memref_slice %arg10[%dma_wait3A_398, %dma_wait3A_399] : memref<256x128xf32, #tpu.memory_space<vmem>> -> memref<128x128xf32, #tpu.memory_space<vmem>>
        %dma_wait3A_401 = tpu.memref_slice %arg9[%add3A_379] : memref<6400xi32, #tpu.memory_space<vmem>> -> memref<128xi32, #tpu.memory_space<vmem>>
        %dma_wait3A_402 = arith.constant 0 : i32
        %dma_wait3A_403 = arith.constant 0 : i32
        %dma_wait3A_404 = tpu.memref_slice %arg15[%dma_wait3A_402, %dma_wait3A_403] : memref<1024x128xf32, #tpu.memory_space<vmem_shared>> -> memref<1024x128xf32, #tpu.memory_space<vmem_shared>>
        tpu.wait_indirect_dma semaphore(%arg19 : memref<!tpu.dma_semaphore, #tpu.memory_space<semaphore_mem>>) src(%dma_wait3A_404 : memref<1024x128xf32, #tpu.memory_space<vmem_shared>>) dst(%dma_wait3A_400 : memref<128x128xf32, #tpu.memory_space<vmem>>)
        %dma_wait3A_405 = arith.constant 128 : i32
        %dma_wait3A_406 = arith.constant 0 : i32
        %dma_wait3A_407 = tpu.memref_slice %arg10[%dma_wait3A_405, %dma_wait3A_406] : memref<256x128xf32, #tpu.memory_space<vmem>> -> memref<128x128xf32, #tpu.memory_space<vmem>>
        %dma_wait3A_408 = tpu.memref_slice %arg9[%add3A_383] : memref<6400xi32, #tpu.memory_space<vmem>> -> memref<128xi32, #tpu.memory_space<vmem>>
        %dma_wait3A_409 = arith.constant 0 : i32
        %dma_wait3A_410 = arith.constant 0 : i32
        %dma_wait3A_411 = tpu.memref_slice %arg15[%dma_wait3A_409, %dma_wait3A_410] : memref<1024x128xf32, #tpu.memory_space<vmem_shared>> -> memref<1024x128xf32, #tpu.memory_space<vmem_shared>>
        tpu.wait_indirect_dma semaphore(%arg19 : memref<!tpu.dma_semaphore, #tpu.memory_space<semaphore_mem>>) src(%dma_wait3A_411 : memref<1024x128xf32, #tpu.memory_space<vmem_shared>>) dst(%dma_wait3A_407 : memref<128x128xf32, #tpu.memory_space<vmem>>)
        %eq3A_412 = arith.constant 0 : i32
        %eq3A_413 = arith.cmpi eq, %add3A, %eq3A_412 : i32
        %eq3A_414 = arith.constant 1 : i32
        %eq3A_415 = arith.cmpi eq, %add3A_226, %eq3A_414 : i32
        %and3A_416 = arith.andi %eq3A_413, %eq3A_415 : i1
        %convert_element_type3A_417 = arith.extui %and3A_416 : i1 to i32
        %cond3A_418 = arith.constant 0 : i32
        %cond3A_419 = arith.cmpi ne, %convert_element_type3A_417, %cond3A_418 : i32
        scf.if %cond3A_419 {
          %get3A = arith.constant 0 : index
          %get3A_429 = tpu.vector_load %arg9[%get3A] {strides = array<i32>} : memref<6400xi32, #tpu.memory_space<vmem>>, vector<16xi32>,
          %get3A_430 = vector.shape_cast %get3A_429 : vector<16xi32> to vector<16xi32>
          %slice3A = vector.extract_strided_slice %get3A_430 {offsets = [0], sizes = [1], strides = [1]} : vector<16xi32> to vector<1xi32>
          %squeeze3A = vector.extract %slice3A[0] : i32 from vector<1xi32>
          "tpu.region"() ({
            %run_scoped3A = tpu.sem_alloc : memref<!tpu.dma_semaphore, #tpu.memory_space<semaphore_mem>>
            %dma_start3A_566 = arith.constant 0 : i32
            %dma_start3A_567 = tpu.memref_slice %arg15[%squeeze3A, %dma_start3A_566] : memref<1024x128xf32, #tpu.memory_space<vmem_shared>> -> memref<1x128xf32, #tpu.memory_space<vmem_shared>>
            %dma_start3A_568 = arith.constant 0 : i32
            %dma_start3A_569 = tpu.memref_slice %arg15[%squeeze3A, %dma_start3A_568] : memref<1024x128xf32, #tpu.memory_space<vmem_shared>> -> memref<1x128xf32, #tpu.memory_space<vmem_shared>>
            tpu.enqueue_dma source(%dma_start3A_569 : memref<1x128xf32, #tpu.memory_space<vmem_shared>>) target(%arg13 : memref<1x128xf32, #tpu.memory_space<vmem>>) target_semaphore(%run_scoped3A : memref<!tpu.dma_semaphore, #tpu.memory_space<semaphore_mem>>)
            %dma_wait3A_570 = arith.constant 0 : i32
            %dma_wait3A_571 = tpu.memref_slice %arg15[%squeeze3A, %dma_wait3A_570] : memref<1024x128xf32, #tpu.memory_space<vmem_shared>> -> memref<1x128xf32, #tpu.memory_space<vmem_shared>>
            %dma_wait3A_572 = arith.constant 0 : i32
            %dma_wait3A_573 = tpu.memref_slice %arg15[%squeeze3A, %dma_wait3A_572] : memref<1024x128xf32, #tpu.memory_space<vmem_shared>> -> memref<1x128xf32, #tpu.memory_space<vmem_shared>>
            tpu.wait_dma2 semaphore(%run_scoped3A : memref<!tpu.dma_semaphore, #tpu.memory_space<semaphore_mem>>) src(%dma_wait3A_573 : memref<1x128xf32, #tpu.memory_space<vmem_shared>>) dst(%arg13 : memref<1x128xf32, #tpu.memory_space<vmem>>)
            tpu.yield
          }) : () -> ()
          %get3A_431 = arith.constant 0 : i32
          %get3A_432 = arith.index_cast %get3A_431 : i32 to index
          %get3A_433 = arith.constant 0 : index
          %get3A_434 = tpu.vector_load %arg10[%get3A_432, %get3A_433] {strides = array<i32>} : memref<256x128xf32, #tpu.memory_space<vmem>>, vector<1x16xf32>,
          %get3A_435 = vector.shape_cast %get3A_434 : vector<1x16xf32> to vector<16xf32>
          %get3A_436 = arith.constant 0 : i32
          %get3A_437 = arith.index_cast %get3A_436 : i32 to index
          %get3A_438 = arith.constant 0 : index
          %get3A_439 = tpu.vector_load %arg13[%get3A_437, %get3A_438] {strides = array<i32>} : memref<1x128xf32, #tpu.memory_space<vmem>>, vector<1x16xf32>,
          %get3A_440 = vector.shape_cast %get3A_439 : vector<1x16xf32> to vector<16xf32>
          %sub3A_441 = arith.subf %get3A_435, %get3A_440 : vector<16xf32>
          %swap3A = arith.constant 0 : i32
          %swap3A_442 = arith.index_cast %swap3A : i32 to index
          %swap3A_443 = arith.constant 0 : index
          %swap3A_444 = tpu.vector_load %arg10[%swap3A_442, %swap3A_443] {strides = array<i32>} : memref<256x128xf32, #tpu.memory_space<vmem>>, vector<1x16xf32>,
          %swap3A_445 = vector.shape_cast %swap3A_444 : vector<1x16xf32> to vector<16xf32>
          %swap3A_446 = vector.shape_cast %sub3A_441 : vector<16xf32> to vector<1x16xf32>
          tpu.vector_store %arg10[%swap3A_442, %swap3A_443], %swap3A_446 {strides = array<i32>} : memref<256x128xf32, #tpu.memory_space<vmem>>, vector<1x16xf32>,
          %get3A_447 = arith.constant 0 : i32
          %get3A_448 = arith.index_cast %get3A_447 : i32 to index
          %get3A_449 = arith.constant 16 : index
          %get3A_450 = tpu.vector_load %arg10[%get3A_448, %get3A_449] {strides = array<i32>} : memref<256x128xf32, #tpu.memory_space<vmem>>, vector<1x16xf32>,
          %get3A_451 = vector.shape_cast %get3A_450 : vector<1x16xf32> to vector<16xf32>
          %get3A_452 = arith.constant 0 : i32
          %get3A_453 = arith.index_cast %get3A_452 : i32 to index
          %get3A_454 = arith.constant 16 : index
          %get3A_455 = tpu.vector_load %arg13[%get3A_453, %get3A_454] {strides = array<i32>} : memref<1x128xf32, #tpu.memory_space<vmem>>, vector<1x16xf32>,
          %get3A_456 = vector.shape_cast %get3A_455 : vector<1x16xf32> to vector<16xf32>
          %sub3A_457 = arith.subf %get3A_451, %get3A_456 : vector<16xf32>
          %swap3A_458 = arith.constant 0 : i32
          %swap3A_459 = arith.index_cast %swap3A_458 : i32 to index
          %swap3A_460 = arith.constant 16 : index
          %swap3A_461 = tpu.vector_load %arg10[%swap3A_459, %swap3A_460] {strides = array<i32>} : memref<256x128xf32, #tpu.memory_space<vmem>>, vector<1x16xf32>,
          %swap3A_462 = vector.shape_cast %swap3A_461 : vector<1x16xf32> to vector<16xf32>
          %swap3A_463 = vector.shape_cast %sub3A_457 : vector<16xf32> to vector<1x16xf32>
          tpu.vector_store %arg10[%swap3A_459, %swap3A_460], %swap3A_463 {strides = array<i32>} : memref<256x128xf32, #tpu.memory_space<vmem>>, vector<1x16xf32>,
          %get3A_464 = arith.constant 0 : i32
          %get3A_465 = arith.index_cast %get3A_464 : i32 to index
          %get3A_466 = arith.constant 32 : index
          %get3A_467 = tpu.vector_load %arg10[%get3A_465, %get3A_466] {strides = array<i32>} : memref<256x128xf32, #tpu.memory_space<vmem>>, vector<1x16xf32>,
          %get3A_468 = vector.shape_cast %get3A_467 : vector<1x16xf32> to vector<16xf32>
          %get3A_469 = arith.constant 0 : i32
          %get3A_470 = arith.index_cast %get3A_469 : i32 to index
          %get3A_471 = arith.constant 32 : index
          %get3A_472 = tpu.vector_load %arg13[%get3A_470, %get3A_471] {strides = array<i32>} : memref<1x128xf32, #tpu.memory_space<vmem>>, vector<1x16xf32>,
          %get3A_473 = vector.shape_cast %get3A_472 : vector<1x16xf32> to vector<16xf32>
          %sub3A_474 = arith.subf %get3A_468, %get3A_473 : vector<16xf32>
          %swap3A_475 = arith.constant 0 : i32
          %swap3A_476 = arith.index_cast %swap3A_475 : i32 to index
          %swap3A_477 = arith.constant 32 : index
          %swap3A_478 = tpu.vector_load %arg10[%swap3A_476, %swap3A_477] {strides = array<i32>} : memref<256x128xf32, #tpu.memory_space<vmem>>, vector<1x16xf32>,
          %swap3A_479 = vector.shape_cast %swap3A_478 : vector<1x16xf32> to vector<16xf32>
          %swap3A_480 = vector.shape_cast %sub3A_474 : vector<16xf32> to vector<1x16xf32>
          tpu.vector_store %arg10[%swap3A_476, %swap3A_477], %swap3A_480 {strides = array<i32>} : memref<256x128xf32, #tpu.memory_space<vmem>>, vector<1x16xf32>,
          %get3A_481 = arith.constant 0 : i32
          %get3A_482 = arith.index_cast %get3A_481 : i32 to index
          %get3A_483 = arith.constant 48 : index
          %get3A_484 = tpu.vector_load %arg10[%get3A_482, %get3A_483] {strides = array<i32>} : memref<256x128xf32, #tpu.memory_space<vmem>>, vector<1x16xf32>,
          %get3A_485 = vector.shape_cast %get3A_484 : vector<1x16xf32> to vector<16xf32>
          %get3A_486 = arith.constant 0 : i32
          %get3A_487 = arith.index_cast %get3A_486 : i32 to index
          %get3A_488 = arith.constant 48 : index
          %get3A_489 = tpu.vector_load %arg13[%get3A_487, %get3A_488] {strides = array<i32>} : memref<1x128xf32, #tpu.memory_space<vmem>>, vector<1x16xf32>,
          %get3A_490 = vector.shape_cast %get3A_489 : vector<1x16xf32> to vector<16xf32>
          %sub3A_491 = arith.subf %get3A_485, %get3A_490 : vector<16xf32>
          %swap3A_492 = arith.constant 0 : i32
          %swap3A_493 = arith.index_cast %swap3A_492 : i32 to index
          %swap3A_494 = arith.constant 48 : index
          %swap3A_495 = tpu.vector_load %arg10[%swap3A_493, %swap3A_494] {strides = array<i32>} : memref<256x128xf32, #tpu.memory_space<vmem>>, vector<1x16xf32>,
          %swap3A_496 = vector.shape_cast %swap3A_495 : vector<1x16xf32> to vector<16xf32>
          %swap3A_497 = vector.shape_cast %sub3A_491 : vector<16xf32> to vector<1x16xf32>
          tpu.vector_store %arg10[%swap3A_493, %swap3A_494], %swap3A_497 {strides = array<i32>} : memref<256x128xf32, #tpu.memory_space<vmem>>, vector<1x16xf32>,
          %get3A_498 = arith.constant 0 : i32
          %get3A_499 = arith.index_cast %get3A_498 : i32 to index
          %get3A_500 = arith.constant 64 : index
          %get3A_501 = tpu.vector_load %arg10[%get3A_499, %get3A_500] {strides = array<i32>} : memref<256x128xf32, #tpu.memory_space<vmem>>, vector<1x16xf32>,
          %get3A_502 = vector.shape_cast %get3A_501 : vector<1x16xf32> to vector<16xf32>
          %get3A_503 = arith.constant 0 : i32
          %get3A_504 = arith.index_cast %get3A_503 : i32 to index
          %get3A_505 = arith.constant 64 : index
          %get3A_506 = tpu.vector_load %arg13[%get3A_504, %get3A_505] {strides = array<i32>} : memref<1x128xf32, #tpu.memory_space<vmem>>, vector<1x16xf32>,
          %get3A_507 = vector.shape_cast %get3A_506 : vector<1x16xf32> to vector<16xf32>
          %sub3A_508 = arith.subf %get3A_502, %get3A_507 : vector<16xf32>
          %swap3A_509 = arith.constant 0 : i32
          %swap3A_510 = arith.index_cast %swap3A_509 : i32 to index
          %swap3A_511 = arith.constant 64 : index
          %swap3A_512 = tpu.vector_load %arg10[%swap3A_510, %swap3A_511] {strides = array<i32>} : memref<256x128xf32, #tpu.memory_space<vmem>>, vector<1x16xf32>,
          %swap3A_513 = vector.shape_cast %swap3A_512 : vector<1x16xf32> to vector<16xf32>
          %swap3A_514 = vector.shape_cast %sub3A_508 : vector<16xf32> to vector<1x16xf32>
          tpu.vector_store %arg10[%swap3A_510, %swap3A_511], %swap3A_514 {strides = array<i32>} : memref<256x128xf32, #tpu.memory_space<vmem>>, vector<1x16xf32>,
          %get3A_515 = arith.constant 0 : i32
          %get3A_516 = arith.index_cast %get3A_515 : i32 to index
          %get3A_517 = arith.constant 80 : index
          %get3A_518 = tpu.vector_load %arg10[%get3A_516, %get3A_517] {strides = array<i32>} : memref<256x128xf32, #tpu.memory_space<vmem>>, vector<1x16xf32>,
          %get3A_519 = vector.shape_cast %get3A_518 : vector<1x16xf32> to vector<16xf32>
          %get3A_520 = arith.constant 0 : i32
          %get3A_521 = arith.index_cast %get3A_520 : i32 to index
          %get3A_522 = arith.constant 80 : index
          %get3A_523 = tpu.vector_load %arg13[%get3A_521, %get3A_522] {strides = array<i32>} : memref<1x128xf32, #tpu.memory_space<vmem>>, vector<1x16xf32>,
          %get3A_524 = vector.shape_cast %get3A_523 : vector<1x16xf32> to vector<16xf32>
          %sub3A_525 = arith.subf %get3A_519, %get3A_524 : vector<16xf32>
          %swap3A_526 = arith.constant 0 : i32
          %swap3A_527 = arith.index_cast %swap3A_526 : i32 to index
          %swap3A_528 = arith.constant 80 : index
          %swap3A_529 = tpu.vector_load %arg10[%swap3A_527, %swap3A_528] {strides = array<i32>} : memref<256x128xf32, #tpu.memory_space<vmem>>, vector<1x16xf32>,
          %swap3A_530 = vector.shape_cast %swap3A_529 : vector<1x16xf32> to vector<16xf32>
          %swap3A_531 = vector.shape_cast %sub3A_525 : vector<16xf32> to vector<1x16xf32>
          tpu.vector_store %arg10[%swap3A_527, %swap3A_528], %swap3A_531 {strides = array<i32>} : memref<256x128xf32, #tpu.memory_space<vmem>>, vector<1x16xf32>,
          %get3A_532 = arith.constant 0 : i32
          %get3A_533 = arith.index_cast %get3A_532 : i32 to index
          %get3A_534 = arith.constant 96 : index
          %get3A_535 = tpu.vector_load %arg10[%get3A_533, %get3A_534] {strides = array<i32>} : memref<256x128xf32, #tpu.memory_space<vmem>>, vector<1x16xf32>,
          %get3A_536 = vector.shape_cast %get3A_535 : vector<1x16xf32> to vector<16xf32>
          %get3A_537 = arith.constant 0 : i32
          %get3A_538 = arith.index_cast %get3A_537 : i32 to index
          %get3A_539 = arith.constant 96 : index
          %get3A_540 = tpu.vector_load %arg13[%get3A_538, %get3A_539] {strides = array<i32>} : memref<1x128xf32, #tpu.memory_space<vmem>>, vector<1x16xf32>,
          %get3A_541 = vector.shape_cast %get3A_540 : vector<1x16xf32> to vector<16xf32>
          %sub3A_542 = arith.subf %get3A_536, %get3A_541 : vector<16xf32>
          %swap3A_543 = arith.constant 0 : i32
          %swap3A_544 = arith.index_cast %swap3A_543 : i32 to index
          %swap3A_545 = arith.constant 96 : index
          %swap3A_546 = tpu.vector_load %arg10[%swap3A_544, %swap3A_545] {strides = array<i32>} : memref<256x128xf32, #tpu.memory_space<vmem>>, vector<1x16xf32>,
          %swap3A_547 = vector.shape_cast %swap3A_546 : vector<1x16xf32> to vector<16xf32>
          %swap3A_548 = vector.shape_cast %sub3A_542 : vector<16xf32> to vector<1x16xf32>
          tpu.vector_store %arg10[%swap3A_544, %swap3A_545], %swap3A_548 {strides = array<i32>} : memref<256x128xf32, #tpu.memory_space<vmem>>, vector<1x16xf32>,
          %get3A_549 = arith.constant 0 : i32
          %get3A_550 = arith.index_cast %get3A_549 : i32 to index
          %get3A_551 = arith.constant 112 : index
          %get3A_552 = tpu.vector_load %arg10[%get3A_550, %get3A_551] {strides = array<i32>} : memref<256x128xf32, #tpu.memory_space<vmem>>, vector<1x16xf32>,
          %get3A_553 = vector.shape_cast %get3A_552 : vector<1x16xf32> to vector<16xf32>
          %get3A_554 = arith.constant 0 : i32
          %get3A_555 = arith.index_cast %get3A_554 : i32 to index
          %get3A_556 = arith.constant 112 : index
          %get3A_557 = tpu.vector_load %arg13[%get3A_555, %get3A_556] {strides = array<i32>} : memref<1x128xf32, #tpu.memory_space<vmem>>, vector<1x16xf32>,
          %get3A_558 = vector.shape_cast %get3A_557 : vector<1x16xf32> to vector<16xf32>
          %sub3A_559 = arith.subf %get3A_553, %get3A_558 : vector<16xf32>
          %swap3A_560 = arith.constant 0 : i32
          %swap3A_561 = arith.index_cast %swap3A_560 : i32 to index
          %swap3A_562 = arith.constant 112 : index
          %swap3A_563 = tpu.vector_load %arg10[%swap3A_561, %swap3A_562] {strides = array<i32>} : memref<256x128xf32, #tpu.memory_space<vmem>>, vector<1x16xf32>,
          %swap3A_564 = vector.shape_cast %swap3A_563 : vector<1x16xf32> to vector<16xf32>
          %swap3A_565 = vector.shape_cast %sub3A_559 : vector<16xf32> to vector<1x16xf32>
          tpu.vector_store %arg10[%swap3A_561, %swap3A_562], %swap3A_565 {strides = array<i32>} : memref<256x128xf32, #tpu.memory_space<vmem>>, vector<1x16xf32>,
        } else {
        }
        %sub3A_420 = arith.constant 1 : i32
        %sub3A_421 = arith.subi %add3A_226, %sub3A_420 : i32
        %mul3A_422 = arith.constant 256 : i32
        %mul3A_423 = arith.muli %sub3A_421, %mul3A_422 : i32
        %add3A_424 = arith.addi %mul3A_2, %mul3A_423 : i32
        %dma_start3A_425 = arith.constant 0 : i32
        %dma_start3A_426 = tpu.memref_slice %arg7[%add3A_424, %dma_start3A_425] : memref<204800x128xf32, #tpu.memory_space<hbm>> -> memref<256x128xf32, #tpu.memory_space<hbm>>
        %dma_start3A_427 = arith.constant 0 : i32
        %dma_start3A_428 = tpu.memref_slice %arg7[%add3A_424, %dma_start3A_427] : memref<204800x128xf32, #tpu.memory_space<hbm>> -> memref<256x128xf32, #tpu.memory_space<hbm>>
        tpu.enqueue_dma source(%arg10 : memref<256x128xf32, #tpu.memory_space<vmem>>) target(%dma_start3A_428 : memref<256x128xf32, #tpu.memory_space<hbm>>) target_semaphore(%arg25 : memref<!tpu.dma_semaphore, #tpu.memory_space<semaphore_mem>>)
      } else {
      }
      %ge3A_283 = arith.constant 2 : i32
      %ge3A_284 = arith.cmpi sge, %add3A_226, %ge3A_283 : i32
      %convert_element_type3A_285 = arith.extui %ge3A_284 : i1 to i32
      %cond3A_286 = arith.constant 0 : i32
      %cond3A_287 = arith.cmpi ne, %convert_element_type3A_285, %cond3A_286 : i32
      scf.if %cond3A_287 {
        %sub3A = arith.constant 2 : i32
        %sub3A_367 = arith.subi %add3A_226, %sub3A : i32
        %mul3A_368 = arith.constant 256 : i32
        %mul3A_369 = arith.muli %sub3A_367, %mul3A_368 : i32
        %add3A_370 = arith.addi %mul3A_2, %mul3A_369 : i32
        %dma_wait3A_371 = arith.constant 0 : i32
        %dma_wait3A_372 = tpu.memref_slice %arg7[%add3A_370, %dma_wait3A_371] : memref<204800x128xf32, #tpu.memory_space<hbm>> -> memref<256x128xf32, #tpu.memory_space<hbm>>
        %dma_wait3A_373 = arith.constant 0 : i32
        %dma_wait3A_374 = tpu.memref_slice %arg7[%add3A_370, %dma_wait3A_373] : memref<204800x128xf32, #tpu.memory_space<hbm>> -> memref<256x128xf32, #tpu.memory_space<hbm>>
        tpu.wait_dma2 semaphore(%arg27 : memref<!tpu.dma_semaphore, #tpu.memory_space<semaphore_mem>>) src(%arg12 : memref<256x128xf32, #tpu.memory_space<vmem>>) dst(%dma_wait3A_374 : memref<256x128xf32, #tpu.memory_space<hbm>>)
      } else {
      }
      %add3A_288 = arith.constant 1 : i32
      %add3A_289 = arith.addi %add3A_226, %add3A_288 : i32
      %lt3A_290 = arith.constant 25 : i32
      %lt3A_291 = arith.cmpi slt, %add3A_289, %lt3A_290 : i32
      %convert_element_type3A_292 = arith.extui %lt3A_291 : i1 to i32
      %cond3A_293 = arith.constant 0 : i32
      %cond3A_294 = arith.cmpi ne, %convert_element_type3A_292, %cond3A_293 : i32
      scf.if %cond3A_294 {
        %add3A_367 = arith.constant 1 : i32
        %add3A_368 = arith.addi %add3A_226, %add3A_367 : i32
        %mul3A_369 = arith.constant 256 : i32
        %mul3A_370 = arith.muli %add3A_368, %mul3A_369 : i32
        %add3A_371 = arith.addi %mul3A_2, %mul3A_370 : i32
        %dma_start3A_372 = arith.constant 0 : i32
        %dma_start3A_373 = tpu.memref_slice %arg2[%add3A_371, %dma_start3A_372] : memref<204800x128xf32, #tpu.memory_space<hbm>> -> memref<256x128xf32, #tpu.memory_space<hbm>>
        %dma_start3A_374 = arith.constant 0 : i32
        %dma_start3A_375 = tpu.memref_slice %arg2[%add3A_371, %dma_start3A_374] : memref<204800x128xf32, #tpu.memory_space<hbm>> -> memref<256x128xf32, #tpu.memory_space<hbm>>
        tpu.enqueue_dma source(%dma_start3A_375 : memref<256x128xf32, #tpu.memory_space<hbm>>) target(%arg12 : memref<256x128xf32, #tpu.memory_space<vmem>>) target_semaphore(%arg24 : memref<!tpu.dma_semaphore, #tpu.memory_space<semaphore_mem>>)
      } else {
      }
      %mul3A_295 = arith.constant 3 : i32
      %mul3A_296 = arith.muli %mul3A_295, %scan3A_152 : i32
      %add3A_297 = arith.constant 2 : i32
      %add3A_298 = arith.addi %mul3A_296, %add3A_297 : i32
      %mul3A_299 = arith.constant 256 : i32
      %mul3A_300 = arith.muli %add3A_298, %mul3A_299 : i32
      %add3A_301 = arith.addi %mul3A_2, %mul3A_300 : i32
      %dma_wait3A_302 = arith.constant 0 : i32
      %dma_wait3A_303 = tpu.memref_slice %arg2[%add3A_301, %dma_wait3A_302] : memref<204800x128xf32, #tpu.memory_space<hbm>> -> memref<256x128xf32, #tpu.memory_space<hbm>>
      %dma_wait3A_304 = arith.constant 0 : i32
      %dma_wait3A_305 = tpu.memref_slice %arg2[%add3A_301, %dma_wait3A_304] : memref<204800x128xf32, #tpu.memory_space<hbm>> -> memref<256x128xf32, #tpu.memory_space<hbm>>
      tpu.wait_dma2 semaphore(%arg24 : memref<!tpu.dma_semaphore, #tpu.memory_space<semaphore_mem>>) src(%dma_wait3A_305 : memref<256x128xf32, #tpu.memory_space<hbm>>) dst(%arg12 : memref<256x128xf32, #tpu.memory_space<vmem>>)
      %mul3A_306 = arith.constant 256 : i32
      %mul3A_307 = arith.muli %add3A_298, %mul3A_306 : i32
      %add3A_308 = arith.constant 0 : i32
      %add3A_309 = arith.addi %mul3A_307, %add3A_308 : i32
      %mul3A_310 = arith.constant 256 : i32
      %mul3A_311 = arith.muli %add3A_298, %mul3A_310 : i32
      %add3A_312 = arith.constant 128 : i32
      %add3A_313 = arith.addi %mul3A_311, %add3A_312 : i32
      %mul3A_314 = arith.constant 256 : i32
      %mul3A_315 = arith.muli %add3A_298, %mul3A_314 : i32
      %add3A_316 = arith.constant 0 : i32
      %add3A_317 = arith.addi %mul3A_315, %add3A_316 : i32
      %mul3A_318 = arith.constant 256 : i32
      %mul3A_319 = arith.muli %add3A_298, %mul3A_318 : i32
      %add3A_320 = arith.constant 128 : i32
      %add3A_321 = arith.addi %mul3A_319, %add3A_320 : i32
      %dma_start3A_322 = arith.constant 0 : i32
      %dma_start3A_323 = arith.constant 0 : i32
      %dma_start3A_324 = tpu.memref_slice %arg12[%dma_start3A_322, %dma_start3A_323] : memref<256x128xf32, #tpu.memory_space<vmem>> -> memref<128x128xf32, #tpu.memory_space<vmem>>
      %dma_start3A_325 = tpu.memref_slice %arg8[%add3A_309] : memref<6400xi32, #tpu.memory_space<vmem>> -> memref<128xi32, #tpu.memory_space<vmem>>
      %dma_start3A_326 = arith.constant 0 : i32
      %dma_start3A_327 = arith.constant 0 : i32
      %dma_start3A_328 = tpu.memref_slice %arg14[%dma_start3A_326, %dma_start3A_327] : memref<32x128xf32, #tpu.memory_space<vmem_shared>> -> memref<32x128xf32, #tpu.memory_space<vmem_shared>>
      tpu.enqueue_indirect_dma source(%dma_start3A_328 : memref<32x128xf32, #tpu.memory_space<vmem_shared>>) target(%dma_start3A_324 : memref<128x128xf32, #tpu.memory_space<vmem>>) offsets(%dma_start3A_325 : memref<128xi32, #tpu.memory_space<vmem>>) semaphore(%arg18 : memref<!tpu.dma_semaphore, #tpu.memory_space<semaphore_mem>>) {add = true}
      %dma_start3A_329 = arith.constant 128 : i32
      %dma_start3A_330 = arith.constant 0 : i32
      %dma_start3A_331 = tpu.memref_slice %arg12[%dma_start3A_329, %dma_start3A_330] : memref<256x128xf32, #tpu.memory_space<vmem>> -> memref<128x128xf32, #tpu.memory_space<vmem>>
      %dma_start3A_332 = tpu.memref_slice %arg8[%add3A_313] : memref<6400xi32, #tpu.memory_space<vmem>> -> memref<128xi32, #tpu.memory_space<vmem>>
      %dma_start3A_333 = arith.constant 0 : i32
      %dma_start3A_334 = arith.constant 0 : i32
      %dma_start3A_335 = tpu.memref_slice %arg14[%dma_start3A_333, %dma_start3A_334] : memref<32x128xf32, #tpu.memory_space<vmem_shared>> -> memref<32x128xf32, #tpu.memory_space<vmem_shared>>
      tpu.enqueue_indirect_dma source(%dma_start3A_335 : memref<32x128xf32, #tpu.memory_space<vmem_shared>>) target(%dma_start3A_331 : memref<128x128xf32, #tpu.memory_space<vmem>>) offsets(%dma_start3A_332 : memref<128xi32, #tpu.memory_space<vmem>>) semaphore(%arg18 : memref<!tpu.dma_semaphore, #tpu.memory_space<semaphore_mem>>) {add = true}
      %dma_start3A_336 = arith.constant 0 : i32
      %dma_start3A_337 = arith.constant 0 : i32
      %dma_start3A_338 = tpu.memref_slice %arg12[%dma_start3A_336, %dma_start3A_337] : memref<256x128xf32, #tpu.memory_space<vmem>> -> memref<128x128xf32, #tpu.memory_space<vmem>>
      %dma_start3A_339 = tpu.memref_slice %arg9[%add3A_317] : memref<6400xi32, #tpu.memory_space<vmem>> -> memref<128xi32, #tpu.memory_space<vmem>>
      %dma_start3A_340 = arith.constant 0 : i32
      %dma_start3A_341 = arith.constant 0 : i32
      %dma_start3A_342 = tpu.memref_slice %arg15[%dma_start3A_340, %dma_start3A_341] : memref<1024x128xf32, #tpu.memory_space<vmem_shared>> -> memref<1024x128xf32, #tpu.memory_space<vmem_shared>>
      tpu.enqueue_indirect_dma source(%dma_start3A_342 : memref<1024x128xf32, #tpu.memory_space<vmem_shared>>) target(%dma_start3A_338 : memref<128x128xf32, #tpu.memory_space<vmem>>) offsets(%dma_start3A_339 : memref<128xi32, #tpu.memory_space<vmem>>) semaphore(%arg21 : memref<!tpu.dma_semaphore, #tpu.memory_space<semaphore_mem>>) {add = true}
      %dma_start3A_343 = arith.constant 128 : i32
      %dma_start3A_344 = arith.constant 0 : i32
      %dma_start3A_345 = tpu.memref_slice %arg12[%dma_start3A_343, %dma_start3A_344] : memref<256x128xf32, #tpu.memory_space<vmem>> -> memref<128x128xf32, #tpu.memory_space<vmem>>
      %dma_start3A_346 = tpu.memref_slice %arg9[%add3A_321] : memref<6400xi32, #tpu.memory_space<vmem>> -> memref<128xi32, #tpu.memory_space<vmem>>
      %dma_start3A_347 = arith.constant 0 : i32
      %dma_start3A_348 = arith.constant 0 : i32
      %dma_start3A_349 = tpu.memref_slice %arg15[%dma_start3A_347, %dma_start3A_348] : memref<1024x128xf32, #tpu.memory_space<vmem_shared>> -> memref<1024x128xf32, #tpu.memory_space<vmem_shared>>
      tpu.enqueue_indirect_dma source(%dma_start3A_349 : memref<1024x128xf32, #tpu.memory_space<vmem_shared>>) target(%dma_start3A_345 : memref<128x128xf32, #tpu.memory_space<vmem>>) offsets(%dma_start3A_346 : memref<128xi32, #tpu.memory_space<vmem>>) semaphore(%arg21 : memref<!tpu.dma_semaphore, #tpu.memory_space<semaphore_mem>>) {add = true}
      %ge3A_350 = arith.constant 1 : i32
      %ge3A_351 = arith.cmpi sge, %add3A_298, %ge3A_350 : i32
      %convert_element_type3A_352 = arith.extui %ge3A_351 : i1 to i32
      %cond3A_353 = arith.constant 0 : i32
      %cond3A_354 = arith.cmpi ne, %convert_element_type3A_352, %cond3A_353 : i32
      scf.if %cond3A_354 {
        %sub3A = arith.constant 1 : i32
        %sub3A_367 = arith.subi %add3A_298, %sub3A : i32
        %mul3A_368 = arith.constant 256 : i32
        %mul3A_369 = arith.muli %sub3A_367, %mul3A_368 : i32
        %add3A_370 = arith.constant 0 : i32
        %add3A_371 = arith.addi %mul3A_369, %add3A_370 : i32
        %mul3A_372 = arith.constant 256 : i32
        %mul3A_373 = arith.muli %sub3A_367, %mul3A_372 : i32
        %add3A_374 = arith.constant 128 : i32
        %add3A_375 = arith.addi %mul3A_373, %add3A_374 : i32
        %mul3A_376 = arith.constant 256 : i32
        %mul3A_377 = arith.muli %sub3A_367, %mul3A_376 : i32
        %add3A_378 = arith.constant 0 : i32
        %add3A_379 = arith.addi %mul3A_377, %add3A_378 : i32
        %mul3A_380 = arith.constant 256 : i32
        %mul3A_381 = arith.muli %sub3A_367, %mul3A_380 : i32
        %add3A_382 = arith.constant 128 : i32
        %add3A_383 = arith.addi %mul3A_381, %add3A_382 : i32
        %dma_wait3A_384 = arith.constant 0 : i32
        %dma_wait3A_385 = arith.constant 0 : i32
        %dma_wait3A_386 = tpu.memref_slice %arg11[%dma_wait3A_384, %dma_wait3A_385] : memref<256x128xf32, #tpu.memory_space<vmem>> -> memref<128x128xf32, #tpu.memory_space<vmem>>
        %dma_wait3A_387 = tpu.memref_slice %arg8[%add3A_371] : memref<6400xi32, #tpu.memory_space<vmem>> -> memref<128xi32, #tpu.memory_space<vmem>>
        %dma_wait3A_388 = arith.constant 0 : i32
        %dma_wait3A_389 = arith.constant 0 : i32
        %dma_wait3A_390 = tpu.memref_slice %arg14[%dma_wait3A_388, %dma_wait3A_389] : memref<32x128xf32, #tpu.memory_space<vmem_shared>> -> memref<32x128xf32, #tpu.memory_space<vmem_shared>>
        tpu.wait_indirect_dma semaphore(%arg17 : memref<!tpu.dma_semaphore, #tpu.memory_space<semaphore_mem>>) src(%dma_wait3A_390 : memref<32x128xf32, #tpu.memory_space<vmem_shared>>) dst(%dma_wait3A_386 : memref<128x128xf32, #tpu.memory_space<vmem>>)
        %dma_wait3A_391 = arith.constant 128 : i32
        %dma_wait3A_392 = arith.constant 0 : i32
        %dma_wait3A_393 = tpu.memref_slice %arg11[%dma_wait3A_391, %dma_wait3A_392] : memref<256x128xf32, #tpu.memory_space<vmem>> -> memref<128x128xf32, #tpu.memory_space<vmem>>
        %dma_wait3A_394 = tpu.memref_slice %arg8[%add3A_375] : memref<6400xi32, #tpu.memory_space<vmem>> -> memref<128xi32, #tpu.memory_space<vmem>>
        %dma_wait3A_395 = arith.constant 0 : i32
        %dma_wait3A_396 = arith.constant 0 : i32
        %dma_wait3A_397 = tpu.memref_slice %arg14[%dma_wait3A_395, %dma_wait3A_396] : memref<32x128xf32, #tpu.memory_space<vmem_shared>> -> memref<32x128xf32, #tpu.memory_space<vmem_shared>>
        tpu.wait_indirect_dma semaphore(%arg17 : memref<!tpu.dma_semaphore, #tpu.memory_space<semaphore_mem>>) src(%dma_wait3A_397 : memref<32x128xf32, #tpu.memory_space<vmem_shared>>) dst(%dma_wait3A_393 : memref<128x128xf32, #tpu.memory_space<vmem>>)
        %dma_wait3A_398 = arith.constant 0 : i32
        %dma_wait3A_399 = arith.constant 0 : i32
        %dma_wait3A_400 = tpu.memref_slice %arg11[%dma_wait3A_398, %dma_wait3A_399] : memref<256x128xf32, #tpu.memory_space<vmem>> -> memref<128x128xf32, #tpu.memory_space<vmem>>
        %dma_wait3A_401 = tpu.memref_slice %arg9[%add3A_379] : memref<6400xi32, #tpu.memory_space<vmem>> -> memref<128xi32, #tpu.memory_space<vmem>>
        %dma_wait3A_402 = arith.constant 0 : i32
        %dma_wait3A_403 = arith.constant 0 : i32
        %dma_wait3A_404 = tpu.memref_slice %arg15[%dma_wait3A_402, %dma_wait3A_403] : memref<1024x128xf32, #tpu.memory_space<vmem_shared>> -> memref<1024x128xf32, #tpu.memory_space<vmem_shared>>
        tpu.wait_indirect_dma semaphore(%arg20 : memref<!tpu.dma_semaphore, #tpu.memory_space<semaphore_mem>>) src(%dma_wait3A_404 : memref<1024x128xf32, #tpu.memory_space<vmem_shared>>) dst(%dma_wait3A_400 : memref<128x128xf32, #tpu.memory_space<vmem>>)
        %dma_wait3A_405 = arith.constant 128 : i32
        %dma_wait3A_406 = arith.constant 0 : i32
        %dma_wait3A_407 = tpu.memref_slice %arg11[%dma_wait3A_405, %dma_wait3A_406] : memref<256x128xf32, #tpu.memory_space<vmem>> -> memref<128x128xf32, #tpu.memory_space<vmem>>
        %dma_wait3A_408 = tpu.memref_slice %arg9[%add3A_383] : memref<6400xi32, #tpu.memory_space<vmem>> -> memref<128xi32, #tpu.memory_space<vmem>>
        %dma_wait3A_409 = arith.constant 0 : i32
        %dma_wait3A_410 = arith.constant 0 : i32
        %dma_wait3A_411 = tpu.memref_slice %arg15[%dma_wait3A_409, %dma_wait3A_410] : memref<1024x128xf32, #tpu.memory_space<vmem_shared>> -> memref<1024x128xf32, #tpu.memory_space<vmem_shared>>
        tpu.wait_indirect_dma semaphore(%arg20 : memref<!tpu.dma_semaphore, #tpu.memory_space<semaphore_mem>>) src(%dma_wait3A_411 : memref<1024x128xf32, #tpu.memory_space<vmem_shared>>) dst(%dma_wait3A_407 : memref<128x128xf32, #tpu.memory_space<vmem>>)
        %eq3A_412 = arith.constant 0 : i32
        %eq3A_413 = arith.cmpi eq, %add3A, %eq3A_412 : i32
        %eq3A_414 = arith.constant 1 : i32
        %eq3A_415 = arith.cmpi eq, %add3A_298, %eq3A_414 : i32
        %and3A_416 = arith.andi %eq3A_413, %eq3A_415 : i1
        %convert_element_type3A_417 = arith.extui %and3A_416 : i1 to i32
        %cond3A_418 = arith.constant 0 : i32
        %cond3A_419 = arith.cmpi ne, %convert_element_type3A_417, %cond3A_418 : i32
        scf.if %cond3A_419 {
          %get3A = arith.constant 0 : index
          %get3A_429 = tpu.vector_load %arg9[%get3A] {strides = array<i32>} : memref<6400xi32, #tpu.memory_space<vmem>>, vector<16xi32>,
          %get3A_430 = vector.shape_cast %get3A_429 : vector<16xi32> to vector<16xi32>
          %slice3A = vector.extract_strided_slice %get3A_430 {offsets = [0], sizes = [1], strides = [1]} : vector<16xi32> to vector<1xi32>
          %squeeze3A = vector.extract %slice3A[0] : i32 from vector<1xi32>
          "tpu.region"() ({
            %run_scoped3A = tpu.sem_alloc : memref<!tpu.dma_semaphore, #tpu.memory_space<semaphore_mem>>
            %dma_start3A_566 = arith.constant 0 : i32
            %dma_start3A_567 = tpu.memref_slice %arg15[%squeeze3A, %dma_start3A_566] : memref<1024x128xf32, #tpu.memory_space<vmem_shared>> -> memref<1x128xf32, #tpu.memory_space<vmem_shared>>
            %dma_start3A_568 = arith.constant 0 : i32
            %dma_start3A_569 = tpu.memref_slice %arg15[%squeeze3A, %dma_start3A_568] : memref<1024x128xf32, #tpu.memory_space<vmem_shared>> -> memref<1x128xf32, #tpu.memory_space<vmem_shared>>
            tpu.enqueue_dma source(%dma_start3A_569 : memref<1x128xf32, #tpu.memory_space<vmem_shared>>) target(%arg13 : memref<1x128xf32, #tpu.memory_space<vmem>>) target_semaphore(%run_scoped3A : memref<!tpu.dma_semaphore, #tpu.memory_space<semaphore_mem>>)
            %dma_wait3A_570 = arith.constant 0 : i32
            %dma_wait3A_571 = tpu.memref_slice %arg15[%squeeze3A, %dma_wait3A_570] : memref<1024x128xf32, #tpu.memory_space<vmem_shared>> -> memref<1x128xf32, #tpu.memory_space<vmem_shared>>
            %dma_wait3A_572 = arith.constant 0 : i32
            %dma_wait3A_573 = tpu.memref_slice %arg15[%squeeze3A, %dma_wait3A_572] : memref<1024x128xf32, #tpu.memory_space<vmem_shared>> -> memref<1x128xf32, #tpu.memory_space<vmem_shared>>
            tpu.wait_dma2 semaphore(%run_scoped3A : memref<!tpu.dma_semaphore, #tpu.memory_space<semaphore_mem>>) src(%dma_wait3A_573 : memref<1x128xf32, #tpu.memory_space<vmem_shared>>) dst(%arg13 : memref<1x128xf32, #tpu.memory_space<vmem>>)
            tpu.yield
          }) : () -> ()
          %get3A_431 = arith.constant 0 : i32
          %get3A_432 = arith.index_cast %get3A_431 : i32 to index
          %get3A_433 = arith.constant 0 : index
          %get3A_434 = tpu.vector_load %arg10[%get3A_432, %get3A_433] {strides = array<i32>} : memref<256x128xf32, #tpu.memory_space<vmem>>, vector<1x16xf32>,
          %get3A_435 = vector.shape_cast %get3A_434 : vector<1x16xf32> to vector<16xf32>
          %get3A_436 = arith.constant 0 : i32
          %get3A_437 = arith.index_cast %get3A_436 : i32 to index
          %get3A_438 = arith.constant 0 : index
          %get3A_439 = tpu.vector_load %arg13[%get3A_437, %get3A_438] {strides = array<i32>} : memref<1x128xf32, #tpu.memory_space<vmem>>, vector<1x16xf32>,
          %get3A_440 = vector.shape_cast %get3A_439 : vector<1x16xf32> to vector<16xf32>
          %sub3A_441 = arith.subf %get3A_435, %get3A_440 : vector<16xf32>
          %swap3A = arith.constant 0 : i32
          %swap3A_442 = arith.index_cast %swap3A : i32 to index
          %swap3A_443 = arith.constant 0 : index
          %swap3A_444 = tpu.vector_load %arg10[%swap3A_442, %swap3A_443] {strides = array<i32>} : memref<256x128xf32, #tpu.memory_space<vmem>>, vector<1x16xf32>,
          %swap3A_445 = vector.shape_cast %swap3A_444 : vector<1x16xf32> to vector<16xf32>
          %swap3A_446 = vector.shape_cast %sub3A_441 : vector<16xf32> to vector<1x16xf32>
          tpu.vector_store %arg10[%swap3A_442, %swap3A_443], %swap3A_446 {strides = array<i32>} : memref<256x128xf32, #tpu.memory_space<vmem>>, vector<1x16xf32>,
          %get3A_447 = arith.constant 0 : i32
          %get3A_448 = arith.index_cast %get3A_447 : i32 to index
          %get3A_449 = arith.constant 16 : index
          %get3A_450 = tpu.vector_load %arg10[%get3A_448, %get3A_449] {strides = array<i32>} : memref<256x128xf32, #tpu.memory_space<vmem>>, vector<1x16xf32>,
          %get3A_451 = vector.shape_cast %get3A_450 : vector<1x16xf32> to vector<16xf32>
          %get3A_452 = arith.constant 0 : i32
          %get3A_453 = arith.index_cast %get3A_452 : i32 to index
          %get3A_454 = arith.constant 16 : index
          %get3A_455 = tpu.vector_load %arg13[%get3A_453, %get3A_454] {strides = array<i32>} : memref<1x128xf32, #tpu.memory_space<vmem>>, vector<1x16xf32>,
          %get3A_456 = vector.shape_cast %get3A_455 : vector<1x16xf32> to vector<16xf32>
          %sub3A_457 = arith.subf %get3A_451, %get3A_456 : vector<16xf32>
          %swap3A_458 = arith.constant 0 : i32
          %swap3A_459 = arith.index_cast %swap3A_458 : i32 to index
          %swap3A_460 = arith.constant 16 : index
          %swap3A_461 = tpu.vector_load %arg10[%swap3A_459, %swap3A_460] {strides = array<i32>} : memref<256x128xf32, #tpu.memory_space<vmem>>, vector<1x16xf32>,
          %swap3A_462 = vector.shape_cast %swap3A_461 : vector<1x16xf32> to vector<16xf32>
          %swap3A_463 = vector.shape_cast %sub3A_457 : vector<16xf32> to vector<1x16xf32>
          tpu.vector_store %arg10[%swap3A_459, %swap3A_460], %swap3A_463 {strides = array<i32>} : memref<256x128xf32, #tpu.memory_space<vmem>>, vector<1x16xf32>,
          %get3A_464 = arith.constant 0 : i32
          %get3A_465 = arith.index_cast %get3A_464 : i32 to index
          %get3A_466 = arith.constant 32 : index
          %get3A_467 = tpu.vector_load %arg10[%get3A_465, %get3A_466] {strides = array<i32>} : memref<256x128xf32, #tpu.memory_space<vmem>>, vector<1x16xf32>,
          %get3A_468 = vector.shape_cast %get3A_467 : vector<1x16xf32> to vector<16xf32>
          %get3A_469 = arith.constant 0 : i32
          %get3A_470 = arith.index_cast %get3A_469 : i32 to index
          %get3A_471 = arith.constant 32 : index
          %get3A_472 = tpu.vector_load %arg13[%get3A_470, %get3A_471] {strides = array<i32>} : memref<1x128xf32, #tpu.memory_space<vmem>>, vector<1x16xf32>,
          %get3A_473 = vector.shape_cast %get3A_472 : vector<1x16xf32> to vector<16xf32>
          %sub3A_474 = arith.subf %get3A_468, %get3A_473 : vector<16xf32>
          %swap3A_475 = arith.constant 0 : i32
          %swap3A_476 = arith.index_cast %swap3A_475 : i32 to index
          %swap3A_477 = arith.constant 32 : index
          %swap3A_478 = tpu.vector_load %arg10[%swap3A_476, %swap3A_477] {strides = array<i32>} : memref<256x128xf32, #tpu.memory_space<vmem>>, vector<1x16xf32>,
          %swap3A_479 = vector.shape_cast %swap3A_478 : vector<1x16xf32> to vector<16xf32>
          %swap3A_480 = vector.shape_cast %sub3A_474 : vector<16xf32> to vector<1x16xf32>
          tpu.vector_store %arg10[%swap3A_476, %swap3A_477], %swap3A_480 {strides = array<i32>} : memref<256x128xf32, #tpu.memory_space<vmem>>, vector<1x16xf32>,
          %get3A_481 = arith.constant 0 : i32
          %get3A_482 = arith.index_cast %get3A_481 : i32 to index
          %get3A_483 = arith.constant 48 : index
          %get3A_484 = tpu.vector_load %arg10[%get3A_482, %get3A_483] {strides = array<i32>} : memref<256x128xf32, #tpu.memory_space<vmem>>, vector<1x16xf32>,
          %get3A_485 = vector.shape_cast %get3A_484 : vector<1x16xf32> to vector<16xf32>
          %get3A_486 = arith.constant 0 : i32
          %get3A_487 = arith.index_cast %get3A_486 : i32 to index
          %get3A_488 = arith.constant 48 : index
          %get3A_489 = tpu.vector_load %arg13[%get3A_487, %get3A_488] {strides = array<i32>} : memref<1x128xf32, #tpu.memory_space<vmem>>, vector<1x16xf32>,
          %get3A_490 = vector.shape_cast %get3A_489 : vector<1x16xf32> to vector<16xf32>
          %sub3A_491 = arith.subf %get3A_485, %get3A_490 : vector<16xf32>
          %swap3A_492 = arith.constant 0 : i32
          %swap3A_493 = arith.index_cast %swap3A_492 : i32 to index
          %swap3A_494 = arith.constant 48 : index
          %swap3A_495 = tpu.vector_load %arg10[%swap3A_493, %swap3A_494] {strides = array<i32>} : memref<256x128xf32, #tpu.memory_space<vmem>>, vector<1x16xf32>,
          %swap3A_496 = vector.shape_cast %swap3A_495 : vector<1x16xf32> to vector<16xf32>
          %swap3A_497 = vector.shape_cast %sub3A_491 : vector<16xf32> to vector<1x16xf32>
          tpu.vector_store %arg10[%swap3A_493, %swap3A_494], %swap3A_497 {strides = array<i32>} : memref<256x128xf32, #tpu.memory_space<vmem>>, vector<1x16xf32>,
          %get3A_498 = arith.constant 0 : i32
          %get3A_499 = arith.index_cast %get3A_498 : i32 to index
          %get3A_500 = arith.constant 64 : index
          %get3A_501 = tpu.vector_load %arg10[%get3A_499, %get3A_500] {strides = array<i32>} : memref<256x128xf32, #tpu.memory_space<vmem>>, vector<1x16xf32>,
          %get3A_502 = vector.shape_cast %get3A_501 : vector<1x16xf32> to vector<16xf32>
          %get3A_503 = arith.constant 0 : i32
          %get3A_504 = arith.index_cast %get3A_503 : i32 to index
          %get3A_505 = arith.constant 64 : index
          %get3A_506 = tpu.vector_load %arg13[%get3A_504, %get3A_505] {strides = array<i32>} : memref<1x128xf32, #tpu.memory_space<vmem>>, vector<1x16xf32>,
          %get3A_507 = vector.shape_cast %get3A_506 : vector<1x16xf32> to vector<16xf32>
          %sub3A_508 = arith.subf %get3A_502, %get3A_507 : vector<16xf32>
          %swap3A_509 = arith.constant 0 : i32
          %swap3A_510 = arith.index_cast %swap3A_509 : i32 to index
          %swap3A_511 = arith.constant 64 : index
          %swap3A_512 = tpu.vector_load %arg10[%swap3A_510, %swap3A_511] {strides = array<i32>} : memref<256x128xf32, #tpu.memory_space<vmem>>, vector<1x16xf32>,
          %swap3A_513 = vector.shape_cast %swap3A_512 : vector<1x16xf32> to vector<16xf32>
          %swap3A_514 = vector.shape_cast %sub3A_508 : vector<16xf32> to vector<1x16xf32>
          tpu.vector_store %arg10[%swap3A_510, %swap3A_511], %swap3A_514 {strides = array<i32>} : memref<256x128xf32, #tpu.memory_space<vmem>>, vector<1x16xf32>,
          %get3A_515 = arith.constant 0 : i32
          %get3A_516 = arith.index_cast %get3A_515 : i32 to index
          %get3A_517 = arith.constant 80 : index
          %get3A_518 = tpu.vector_load %arg10[%get3A_516, %get3A_517] {strides = array<i32>} : memref<256x128xf32, #tpu.memory_space<vmem>>, vector<1x16xf32>,
          %get3A_519 = vector.shape_cast %get3A_518 : vector<1x16xf32> to vector<16xf32>
          %get3A_520 = arith.constant 0 : i32
          %get3A_521 = arith.index_cast %get3A_520 : i32 to index
          %get3A_522 = arith.constant 80 : index
          %get3A_523 = tpu.vector_load %arg13[%get3A_521, %get3A_522] {strides = array<i32>} : memref<1x128xf32, #tpu.memory_space<vmem>>, vector<1x16xf32>,
          %get3A_524 = vector.shape_cast %get3A_523 : vector<1x16xf32> to vector<16xf32>
          %sub3A_525 = arith.subf %get3A_519, %get3A_524 : vector<16xf32>
          %swap3A_526 = arith.constant 0 : i32
          %swap3A_527 = arith.index_cast %swap3A_526 : i32 to index
          %swap3A_528 = arith.constant 80 : index
          %swap3A_529 = tpu.vector_load %arg10[%swap3A_527, %swap3A_528] {strides = array<i32>} : memref<256x128xf32, #tpu.memory_space<vmem>>, vector<1x16xf32>,
          %swap3A_530 = vector.shape_cast %swap3A_529 : vector<1x16xf32> to vector<16xf32>
          %swap3A_531 = vector.shape_cast %sub3A_525 : vector<16xf32> to vector<1x16xf32>
          tpu.vector_store %arg10[%swap3A_527, %swap3A_528], %swap3A_531 {strides = array<i32>} : memref<256x128xf32, #tpu.memory_space<vmem>>, vector<1x16xf32>,
          %get3A_532 = arith.constant 0 : i32
          %get3A_533 = arith.index_cast %get3A_532 : i32 to index
          %get3A_534 = arith.constant 96 : index
          %get3A_535 = tpu.vector_load %arg10[%get3A_533, %get3A_534] {strides = array<i32>} : memref<256x128xf32, #tpu.memory_space<vmem>>, vector<1x16xf32>,
          %get3A_536 = vector.shape_cast %get3A_535 : vector<1x16xf32> to vector<16xf32>
          %get3A_537 = arith.constant 0 : i32
          %get3A_538 = arith.index_cast %get3A_537 : i32 to index
          %get3A_539 = arith.constant 96 : index
          %get3A_540 = tpu.vector_load %arg13[%get3A_538, %get3A_539] {strides = array<i32>} : memref<1x128xf32, #tpu.memory_space<vmem>>, vector<1x16xf32>,
          %get3A_541 = vector.shape_cast %get3A_540 : vector<1x16xf32> to vector<16xf32>
          %sub3A_542 = arith.subf %get3A_536, %get3A_541 : vector<16xf32>
          %swap3A_543 = arith.constant 0 : i32
          %swap3A_544 = arith.index_cast %swap3A_543 : i32 to index
          %swap3A_545 = arith.constant 96 : index
          %swap3A_546 = tpu.vector_load %arg10[%swap3A_544, %swap3A_545] {strides = array<i32>} : memref<256x128xf32, #tpu.memory_space<vmem>>, vector<1x16xf32>,
          %swap3A_547 = vector.shape_cast %swap3A_546 : vector<1x16xf32> to vector<16xf32>
          %swap3A_548 = vector.shape_cast %sub3A_542 : vector<16xf32> to vector<1x16xf32>
          tpu.vector_store %arg10[%swap3A_544, %swap3A_545], %swap3A_548 {strides = array<i32>} : memref<256x128xf32, #tpu.memory_space<vmem>>, vector<1x16xf32>,
          %get3A_549 = arith.constant 0 : i32
          %get3A_550 = arith.index_cast %get3A_549 : i32 to index
          %get3A_551 = arith.constant 112 : index
          %get3A_552 = tpu.vector_load %arg10[%get3A_550, %get3A_551] {strides = array<i32>} : memref<256x128xf32, #tpu.memory_space<vmem>>, vector<1x16xf32>,
          %get3A_553 = vector.shape_cast %get3A_552 : vector<1x16xf32> to vector<16xf32>
          %get3A_554 = arith.constant 0 : i32
          %get3A_555 = arith.index_cast %get3A_554 : i32 to index
          %get3A_556 = arith.constant 112 : index
          %get3A_557 = tpu.vector_load %arg13[%get3A_555, %get3A_556] {strides = array<i32>} : memref<1x128xf32, #tpu.memory_space<vmem>>, vector<1x16xf32>,
          %get3A_558 = vector.shape_cast %get3A_557 : vector<1x16xf32> to vector<16xf32>
          %sub3A_559 = arith.subf %get3A_553, %get3A_558 : vector<16xf32>
          %swap3A_560 = arith.constant 0 : i32
          %swap3A_561 = arith.index_cast %swap3A_560 : i32 to index
          %swap3A_562 = arith.constant 112 : index
          %swap3A_563 = tpu.vector_load %arg10[%swap3A_561, %swap3A_562] {strides = array<i32>} : memref<256x128xf32, #tpu.memory_space<vmem>>, vector<1x16xf32>,
          %swap3A_564 = vector.shape_cast %swap3A_563 : vector<1x16xf32> to vector<16xf32>
          %swap3A_565 = vector.shape_cast %sub3A_559 : vector<16xf32> to vector<1x16xf32>
          tpu.vector_store %arg10[%swap3A_561, %swap3A_562], %swap3A_565 {strides = array<i32>} : memref<256x128xf32, #tpu.memory_space<vmem>>, vector<1x16xf32>,
        } else {
        }
        %sub3A_420 = arith.constant 1 : i32
        %sub3A_421 = arith.subi %add3A_298, %sub3A_420 : i32
        %mul3A_422 = arith.constant 256 : i32
        %mul3A_423 = arith.muli %sub3A_421, %mul3A_422 : i32
        %add3A_424 = arith.addi %mul3A_2, %mul3A_423 : i32
        %dma_start3A_425 = arith.constant 0 : i32
        %dma_start3A_426 = tpu.memref_slice %arg7[%add3A_424, %dma_start3A_425] : memref<204800x128xf32, #tpu.memory_space<hbm>> -> memref<256x128xf32, #tpu.memory_space<hbm>>
        %dma_start3A_427 = arith.constant 0 : i32
        %dma_start3A_428 = tpu.memref_slice %arg7[%add3A_424, %dma_start3A_427] : memref<204800x128xf32, #tpu.memory_space<hbm>> -> memref<256x128xf32, #tpu.memory_space<hbm>>
        tpu.enqueue_dma source(%arg11 : memref<256x128xf32, #tpu.memory_space<vmem>>) target(%dma_start3A_428 : memref<256x128xf32, #tpu.memory_space<hbm>>) target_semaphore(%arg26 : memref<!tpu.dma_semaphore, #tpu.memory_space<semaphore_mem>>)
      } else {
      }
      %ge3A_355 = arith.constant 2 : i32
      %ge3A_356 = arith.cmpi sge, %add3A_298, %ge3A_355 : i32
      %convert_element_type3A_357 = arith.extui %ge3A_356 : i1 to i32
      %cond3A_358 = arith.constant 0 : i32
      %cond3A_359 = arith.cmpi ne, %convert_element_type3A_357, %cond3A_358 : i32
      scf.if %cond3A_359 {
        %sub3A = arith.constant 2 : i32
        %sub3A_367 = arith.subi %add3A_298, %sub3A : i32
        %mul3A_368 = arith.constant 256 : i32
        %mul3A_369 = arith.muli %sub3A_367, %mul3A_368 : i32
        %add3A_370 = arith.addi %mul3A_2, %mul3A_369 : i32
        %dma_wait3A_371 = arith.constant 0 : i32
        %dma_wait3A_372 = tpu.memref_slice %arg7[%add3A_370, %dma_wait3A_371] : memref<204800x128xf32, #tpu.memory_space<hbm>> -> memref<256x128xf32, #tpu.memory_space<hbm>>
        %dma_wait3A_373 = arith.constant 0 : i32
        %dma_wait3A_374 = tpu.memref_slice %arg7[%add3A_370, %dma_wait3A_373] : memref<204800x128xf32, #tpu.memory_space<hbm>> -> memref<256x128xf32, #tpu.memory_space<hbm>>
        tpu.wait_dma2 semaphore(%arg25 : memref<!tpu.dma_semaphore, #tpu.memory_space<semaphore_mem>>) src(%arg10 : memref<256x128xf32, #tpu.memory_space<vmem>>) dst(%dma_wait3A_374 : memref<256x128xf32, #tpu.memory_space<hbm>>)
      } else {
      }
      %add3A_360 = arith.constant 1 : i32
      %add3A_361 = arith.addi %add3A_298, %add3A_360 : i32
      %lt3A_362 = arith.constant 25 : i32
      %lt3A_363 = arith.cmpi slt, %add3A_361, %lt3A_362 : i32
      %convert_element_type3A_364 = arith.extui %lt3A_363 : i1 to i32
      %cond3A_365 = arith.constant 0 : i32
      %cond3A_366 = arith.cmpi ne, %convert_element_type3A_364, %cond3A_365 : i32
      scf.if %cond3A_366 {
        %add3A_367 = arith.constant 1 : i32
        %add3A_368 = arith.addi %add3A_298, %add3A_367 : i32
        %mul3A_369 = arith.constant 256 : i32
        %mul3A_370 = arith.muli %add3A_368, %mul3A_369 : i32
        %add3A_371 = arith.addi %mul3A_2, %mul3A_370 : i32
        %dma_start3A_372 = arith.constant 0 : i32
        %dma_start3A_373 = tpu.memref_slice %arg2[%add3A_371, %dma_start3A_372] : memref<204800x128xf32, #tpu.memory_space<hbm>> -> memref<256x128xf32, #tpu.memory_space<hbm>>
        %dma_start3A_374 = arith.constant 0 : i32
        %dma_start3A_375 = tpu.memref_slice %arg2[%add3A_371, %dma_start3A_374] : memref<204800x128xf32, #tpu.memory_space<hbm>> -> memref<256x128xf32, #tpu.memory_space<hbm>>
        tpu.enqueue_dma source(%dma_start3A_375 : memref<256x128xf32, #tpu.memory_space<hbm>>) target(%arg10 : memref<256x128xf32, #tpu.memory_space<vmem>>) target_semaphore(%arg22 : memref<!tpu.dma_semaphore, #tpu.memory_space<semaphore_mem>>)
      } else {
      }
    }
    %scan3A_14 = arith.constant 8 : i32
    %add3A_15 = arith.constant 6144 : i32
    %add3A_16 = arith.addi %mul3A_2, %add3A_15 : i32
    %dma_wait3A = arith.constant 0 : i32
    %dma_wait3A_17 = tpu.memref_slice %arg2[%add3A_16, %dma_wait3A] : memref<204800x128xf32, #tpu.memory_space<hbm>> -> memref<256x128xf32, #tpu.memory_space<hbm>>
    %dma_wait3A_18 = arith.constant 0 : i32
    %dma_wait3A_19 = tpu.memref_slice %arg2[%add3A_16, %dma_wait3A_18] : memref<204800x128xf32, #tpu.memory_space<hbm>> -> memref<256x128xf32, #tpu.memory_space<hbm>>
    tpu.wait_dma2 semaphore(%arg22 : memref<!tpu.dma_semaphore, #tpu.memory_space<semaphore_mem>>) src(%dma_wait3A_19 : memref<256x128xf32, #tpu.memory_space<hbm>>) dst(%arg10 : memref<256x128xf32, #tpu.memory_space<vmem>>)
    %dma_start3A_20 = arith.constant 0 : i32
    %dma_start3A_21 = arith.constant 0 : i32
    %dma_start3A_22 = tpu.memref_slice %arg10[%dma_start3A_20, %dma_start3A_21] : memref<256x128xf32, #tpu.memory_space<vmem>> -> memref<128x128xf32, #tpu.memory_space<vmem>>
    %dma_start3A_23 = arith.constant 6144 : i32
    %dma_start3A_24 = tpu.memref_slice %arg8[%dma_start3A_23] : memref<6400xi32, #tpu.memory_space<vmem>> -> memref<128xi32, #tpu.memory_space<vmem>>
    %dma_start3A_25 = arith.constant 0 : i32
    %dma_start3A_26 = arith.constant 0 : i32
    %dma_start3A_27 = tpu.memref_slice %arg14[%dma_start3A_25, %dma_start3A_26] : memref<32x128xf32, #tpu.memory_space<vmem_shared>> -> memref<32x128xf32, #tpu.memory_space<vmem_shared>>
    tpu.enqueue_indirect_dma source(%dma_start3A_27 : memref<32x128xf32, #tpu.memory_space<vmem_shared>>) target(%dma_start3A_22 : memref<128x128xf32, #tpu.memory_space<vmem>>) offsets(%dma_start3A_24 : memref<128xi32, #tpu.memory_space<vmem>>) semaphore(%arg16 : memref<!tpu.dma_semaphore, #tpu.memory_space<semaphore_mem>>) {add = true}
    %dma_start3A_28 = arith.constant 128 : i32
    %dma_start3A_29 = arith.constant 0 : i32
    %dma_start3A_30 = tpu.memref_slice %arg10[%dma_start3A_28, %dma_start3A_29] : memref<256x128xf32, #tpu.memory_space<vmem>> -> memref<128x128xf32, #tpu.memory_space<vmem>>
    %dma_start3A_31 = arith.constant 6272 : i32
    %dma_start3A_32 = tpu.memref_slice %arg8[%dma_start3A_31] : memref<6400xi32, #tpu.memory_space<vmem>> -> memref<128xi32, #tpu.memory_space<vmem>>
    %dma_start3A_33 = arith.constant 0 : i32
    %dma_start3A_34 = arith.constant 0 : i32
    %dma_start3A_35 = tpu.memref_slice %arg14[%dma_start3A_33, %dma_start3A_34] : memref<32x128xf32, #tpu.memory_space<vmem_shared>> -> memref<32x128xf32, #tpu.memory_space<vmem_shared>>
    tpu.enqueue_indirect_dma source(%dma_start3A_35 : memref<32x128xf32, #tpu.memory_space<vmem_shared>>) target(%dma_start3A_30 : memref<128x128xf32, #tpu.memory_space<vmem>>) offsets(%dma_start3A_32 : memref<128xi32, #tpu.memory_space<vmem>>) semaphore(%arg16 : memref<!tpu.dma_semaphore, #tpu.memory_space<semaphore_mem>>) {add = true}
    %dma_start3A_36 = arith.constant 0 : i32
    %dma_start3A_37 = arith.constant 0 : i32
    %dma_start3A_38 = tpu.memref_slice %arg10[%dma_start3A_36, %dma_start3A_37] : memref<256x128xf32, #tpu.memory_space<vmem>> -> memref<128x128xf32, #tpu.memory_space<vmem>>
    %dma_start3A_39 = arith.constant 6144 : i32
    %dma_start3A_40 = tpu.memref_slice %arg9[%dma_start3A_39] : memref<6400xi32, #tpu.memory_space<vmem>> -> memref<128xi32, #tpu.memory_space<vmem>>
    %dma_start3A_41 = arith.constant 0 : i32
    %dma_start3A_42 = arith.constant 0 : i32
    %dma_start3A_43 = tpu.memref_slice %arg15[%dma_start3A_41, %dma_start3A_42] : memref<1024x128xf32, #tpu.memory_space<vmem_shared>> -> memref<1024x128xf32, #tpu.memory_space<vmem_shared>>
    tpu.enqueue_indirect_dma source(%dma_start3A_43 : memref<1024x128xf32, #tpu.memory_space<vmem_shared>>) target(%dma_start3A_38 : memref<128x128xf32, #tpu.memory_space<vmem>>) offsets(%dma_start3A_40 : memref<128xi32, #tpu.memory_space<vmem>>) semaphore(%arg19 : memref<!tpu.dma_semaphore, #tpu.memory_space<semaphore_mem>>) {add = true}
    %dma_start3A_44 = arith.constant 128 : i32
    %dma_start3A_45 = arith.constant 0 : i32
    %dma_start3A_46 = tpu.memref_slice %arg10[%dma_start3A_44, %dma_start3A_45] : memref<256x128xf32, #tpu.memory_space<vmem>> -> memref<128x128xf32, #tpu.memory_space<vmem>>
    %dma_start3A_47 = arith.constant 6272 : i32
    %dma_start3A_48 = tpu.memref_slice %arg9[%dma_start3A_47] : memref<6400xi32, #tpu.memory_space<vmem>> -> memref<128xi32, #tpu.memory_space<vmem>>
    %dma_start3A_49 = arith.constant 0 : i32
    %dma_start3A_50 = arith.constant 0 : i32
    %dma_start3A_51 = tpu.memref_slice %arg15[%dma_start3A_49, %dma_start3A_50] : memref<1024x128xf32, #tpu.memory_space<vmem_shared>> -> memref<1024x128xf32, #tpu.memory_space<vmem_shared>>
    tpu.enqueue_indirect_dma source(%dma_start3A_51 : memref<1024x128xf32, #tpu.memory_space<vmem_shared>>) target(%dma_start3A_46 : memref<128x128xf32, #tpu.memory_space<vmem>>) offsets(%dma_start3A_48 : memref<128xi32, #tpu.memory_space<vmem>>) semaphore(%arg19 : memref<!tpu.dma_semaphore, #tpu.memory_space<semaphore_mem>>) {add = true}
    %dma_wait3A_52 = arith.constant 0 : i32
    %dma_wait3A_53 = arith.constant 0 : i32
    %dma_wait3A_54 = tpu.memref_slice %arg12[%dma_wait3A_52, %dma_wait3A_53] : memref<256x128xf32, #tpu.memory_space<vmem>> -> memref<128x128xf32, #tpu.memory_space<vmem>>
    %dma_wait3A_55 = arith.constant 5888 : i32
    %dma_wait3A_56 = tpu.memref_slice %arg8[%dma_wait3A_55] : memref<6400xi32, #tpu.memory_space<vmem>> -> memref<128xi32, #tpu.memory_space<vmem>>
    %dma_wait3A_57 = arith.constant 0 : i32
    %dma_wait3A_58 = arith.constant 0 : i32
    %dma_wait3A_59 = tpu.memref_slice %arg14[%dma_wait3A_57, %dma_wait3A_58] : memref<32x128xf32, #tpu.memory_space<vmem_shared>> -> memref<32x128xf32, #tpu.memory_space<vmem_shared>>
    tpu.wait_indirect_dma semaphore(%arg18 : memref<!tpu.dma_semaphore, #tpu.memory_space<semaphore_mem>>) src(%dma_wait3A_59 : memref<32x128xf32, #tpu.memory_space<vmem_shared>>) dst(%dma_wait3A_54 : memref<128x128xf32, #tpu.memory_space<vmem>>)
    %dma_wait3A_60 = arith.constant 128 : i32
    %dma_wait3A_61 = arith.constant 0 : i32
    %dma_wait3A_62 = tpu.memref_slice %arg12[%dma_wait3A_60, %dma_wait3A_61] : memref<256x128xf32, #tpu.memory_space<vmem>> -> memref<128x128xf32, #tpu.memory_space<vmem>>
    %dma_wait3A_63 = arith.constant 6016 : i32
    %dma_wait3A_64 = tpu.memref_slice %arg8[%dma_wait3A_63] : memref<6400xi32, #tpu.memory_space<vmem>> -> memref<128xi32, #tpu.memory_space<vmem>>
    %dma_wait3A_65 = arith.constant 0 : i32
    %dma_wait3A_66 = arith.constant 0 : i32
    %dma_wait3A_67 = tpu.memref_slice %arg14[%dma_wait3A_65, %dma_wait3A_66] : memref<32x128xf32, #tpu.memory_space<vmem_shared>> -> memref<32x128xf32, #tpu.memory_space<vmem_shared>>
    tpu.wait_indirect_dma semaphore(%arg18 : memref<!tpu.dma_semaphore, #tpu.memory_space<semaphore_mem>>) src(%dma_wait3A_67 : memref<32x128xf32, #tpu.memory_space<vmem_shared>>) dst(%dma_wait3A_62 : memref<128x128xf32, #tpu.memory_space<vmem>>)
    %dma_wait3A_68 = arith.constant 0 : i32
    %dma_wait3A_69 = arith.constant 0 : i32
    %dma_wait3A_70 = tpu.memref_slice %arg12[%dma_wait3A_68, %dma_wait3A_69] : memref<256x128xf32, #tpu.memory_space<vmem>> -> memref<128x128xf32, #tpu.memory_space<vmem>>
    %dma_wait3A_71 = arith.constant 5888 : i32
    %dma_wait3A_72 = tpu.memref_slice %arg9[%dma_wait3A_71] : memref<6400xi32, #tpu.memory_space<vmem>> -> memref<128xi32, #tpu.memory_space<vmem>>
    %dma_wait3A_73 = arith.constant 0 : i32
    %dma_wait3A_74 = arith.constant 0 : i32
    %dma_wait3A_75 = tpu.memref_slice %arg15[%dma_wait3A_73, %dma_wait3A_74] : memref<1024x128xf32, #tpu.memory_space<vmem_shared>> -> memref<1024x128xf32, #tpu.memory_space<vmem_shared>>
    tpu.wait_indirect_dma semaphore(%arg21 : memref<!tpu.dma_semaphore, #tpu.memory_space<semaphore_mem>>) src(%dma_wait3A_75 : memref<1024x128xf32, #tpu.memory_space<vmem_shared>>) dst(%dma_wait3A_70 : memref<128x128xf32, #tpu.memory_space<vmem>>)
    %dma_wait3A_76 = arith.constant 128 : i32
    %dma_wait3A_77 = arith.constant 0 : i32
    %dma_wait3A_78 = tpu.memref_slice %arg12[%dma_wait3A_76, %dma_wait3A_77] : memref<256x128xf32, #tpu.memory_space<vmem>> -> memref<128x128xf32, #tpu.memory_space<vmem>>
    %dma_wait3A_79 = arith.constant 6016 : i32
    %dma_wait3A_80 = tpu.memref_slice %arg9[%dma_wait3A_79] : memref<6400xi32, #tpu.memory_space<vmem>> -> memref<128xi32, #tpu.memory_space<vmem>>
    %dma_wait3A_81 = arith.constant 0 : i32
    %dma_wait3A_82 = arith.constant 0 : i32
    %dma_wait3A_83 = tpu.memref_slice %arg15[%dma_wait3A_81, %dma_wait3A_82] : memref<1024x128xf32, #tpu.memory_space<vmem_shared>> -> memref<1024x128xf32, #tpu.memory_space<vmem_shared>>
    tpu.wait_indirect_dma semaphore(%arg21 : memref<!tpu.dma_semaphore, #tpu.memory_space<semaphore_mem>>) src(%dma_wait3A_83 : memref<1024x128xf32, #tpu.memory_space<vmem_shared>>) dst(%dma_wait3A_78 : memref<128x128xf32, #tpu.memory_space<vmem>>)
    %eq3A_84 = arith.constant 0 : i32
    %eq3A_85 = arith.cmpi eq, %add3A, %eq3A_84 : i32
    %and3A = arith.constant false
    %and3A_86 = arith.andi %eq3A_85, %and3A : i1
    %convert_element_type3A_87 = arith.extui %and3A_86 : i1 to i32
    %cond3A_88 = arith.constant 0 : i32
    %cond3A_89 = arith.cmpi ne, %convert_element_type3A_87, %cond3A_88 : i32
    scf.if %cond3A_89 {
      %get3A = arith.constant 0 : index
      %get3A_152 = tpu.vector_load %arg9[%get3A] {strides = array<i32>} : memref<6400xi32, #tpu.memory_space<vmem>>, vector<16xi32>,
      %get3A_153 = vector.shape_cast %get3A_152 : vector<16xi32> to vector<16xi32>
      %slice3A = vector.extract_strided_slice %get3A_153 {offsets = [0], sizes = [1], strides = [1]} : vector<16xi32> to vector<1xi32>
      %squeeze3A = vector.extract %slice3A[0] : i32 from vector<1xi32>
      "tpu.region"() ({
        %run_scoped3A = tpu.sem_alloc : memref<!tpu.dma_semaphore, #tpu.memory_space<semaphore_mem>>
        %dma_start3A_288 = arith.constant 0 : i32
        %dma_start3A_289 = tpu.memref_slice %arg15[%squeeze3A, %dma_start3A_288] : memref<1024x128xf32, #tpu.memory_space<vmem_shared>> -> memref<1x128xf32, #tpu.memory_space<vmem_shared>>
        %dma_start3A_290 = arith.constant 0 : i32
        %dma_start3A_291 = tpu.memref_slice %arg15[%squeeze3A, %dma_start3A_290] : memref<1024x128xf32, #tpu.memory_space<vmem_shared>> -> memref<1x128xf32, #tpu.memory_space<vmem_shared>>
        tpu.enqueue_dma source(%dma_start3A_291 : memref<1x128xf32, #tpu.memory_space<vmem_shared>>) target(%arg13 : memref<1x128xf32, #tpu.memory_space<vmem>>) target_semaphore(%run_scoped3A : memref<!tpu.dma_semaphore, #tpu.memory_space<semaphore_mem>>)
        %dma_wait3A_292 = arith.constant 0 : i32
        %dma_wait3A_293 = tpu.memref_slice %arg15[%squeeze3A, %dma_wait3A_292] : memref<1024x128xf32, #tpu.memory_space<vmem_shared>> -> memref<1x128xf32, #tpu.memory_space<vmem_shared>>
        %dma_wait3A_294 = arith.constant 0 : i32
        %dma_wait3A_295 = tpu.memref_slice %arg15[%squeeze3A, %dma_wait3A_294] : memref<1024x128xf32, #tpu.memory_space<vmem_shared>> -> memref<1x128xf32, #tpu.memory_space<vmem_shared>>
        tpu.wait_dma2 semaphore(%run_scoped3A : memref<!tpu.dma_semaphore, #tpu.memory_space<semaphore_mem>>) src(%dma_wait3A_295 : memref<1x128xf32, #tpu.memory_space<vmem_shared>>) dst(%arg13 : memref<1x128xf32, #tpu.memory_space<vmem>>)
        tpu.yield
      }) : () -> ()
      %get3A_154 = arith.constant 0 : i32
      %get3A_155 = arith.index_cast %get3A_154 : i32 to index
      %get3A_156 = arith.constant 0 : index
      %get3A_157 = tpu.vector_load %arg10[%get3A_155, %get3A_156] {strides = array<i32>} : memref<256x128xf32, #tpu.memory_space<vmem>>, vector<1x16xf32>,
      %get3A_158 = vector.shape_cast %get3A_157 : vector<1x16xf32> to vector<16xf32>
      %get3A_159 = arith.constant 0 : i32
      %get3A_160 = arith.index_cast %get3A_159 : i32 to index
      %get3A_161 = arith.constant 0 : index
      %get3A_162 = tpu.vector_load %arg13[%get3A_160, %get3A_161] {strides = array<i32>} : memref<1x128xf32, #tpu.memory_space<vmem>>, vector<1x16xf32>,
      %get3A_163 = vector.shape_cast %get3A_162 : vector<1x16xf32> to vector<16xf32>
      %sub3A = arith.subf %get3A_158, %get3A_163 : vector<16xf32>
      %swap3A = arith.constant 0 : i32
      %swap3A_164 = arith.index_cast %swap3A : i32 to index
      %swap3A_165 = arith.constant 0 : index
      %swap3A_166 = tpu.vector_load %arg10[%swap3A_164, %swap3A_165] {strides = array<i32>} : memref<256x128xf32, #tpu.memory_space<vmem>>, vector<1x16xf32>,
      %swap3A_167 = vector.shape_cast %swap3A_166 : vector<1x16xf32> to vector<16xf32>
      %swap3A_168 = vector.shape_cast %sub3A : vector<16xf32> to vector<1x16xf32>
      tpu.vector_store %arg10[%swap3A_164, %swap3A_165], %swap3A_168 {strides = array<i32>} : memref<256x128xf32, #tpu.memory_space<vmem>>, vector<1x16xf32>,
      %get3A_169 = arith.constant 0 : i32
      %get3A_170 = arith.index_cast %get3A_169 : i32 to index
      %get3A_171 = arith.constant 16 : index
      %get3A_172 = tpu.vector_load %arg10[%get3A_170, %get3A_171] {strides = array<i32>} : memref<256x128xf32, #tpu.memory_space<vmem>>, vector<1x16xf32>,
      %get3A_173 = vector.shape_cast %get3A_172 : vector<1x16xf32> to vector<16xf32>
      %get3A_174 = arith.constant 0 : i32
      %get3A_175 = arith.index_cast %get3A_174 : i32 to index
      %get3A_176 = arith.constant 16 : index
      %get3A_177 = tpu.vector_load %arg13[%get3A_175, %get3A_176] {strides = array<i32>} : memref<1x128xf32, #tpu.memory_space<vmem>>, vector<1x16xf32>,
      %get3A_178 = vector.shape_cast %get3A_177 : vector<1x16xf32> to vector<16xf32>
      %sub3A_179 = arith.subf %get3A_173, %get3A_178 : vector<16xf32>
      %swap3A_180 = arith.constant 0 : i32
      %swap3A_181 = arith.index_cast %swap3A_180 : i32 to index
      %swap3A_182 = arith.constant 16 : index
      %swap3A_183 = tpu.vector_load %arg10[%swap3A_181, %swap3A_182] {strides = array<i32>} : memref<256x128xf32, #tpu.memory_space<vmem>>, vector<1x16xf32>,
      %swap3A_184 = vector.shape_cast %swap3A_183 : vector<1x16xf32> to vector<16xf32>
      %swap3A_185 = vector.shape_cast %sub3A_179 : vector<16xf32> to vector<1x16xf32>
      tpu.vector_store %arg10[%swap3A_181, %swap3A_182], %swap3A_185 {strides = array<i32>} : memref<256x128xf32, #tpu.memory_space<vmem>>, vector<1x16xf32>,
      %get3A_186 = arith.constant 0 : i32
      %get3A_187 = arith.index_cast %get3A_186 : i32 to index
      %get3A_188 = arith.constant 32 : index
      %get3A_189 = tpu.vector_load %arg10[%get3A_187, %get3A_188] {strides = array<i32>} : memref<256x128xf32, #tpu.memory_space<vmem>>, vector<1x16xf32>,
      %get3A_190 = vector.shape_cast %get3A_189 : vector<1x16xf32> to vector<16xf32>
      %get3A_191 = arith.constant 0 : i32
      %get3A_192 = arith.index_cast %get3A_191 : i32 to index
      %get3A_193 = arith.constant 32 : index
      %get3A_194 = tpu.vector_load %arg13[%get3A_192, %get3A_193] {strides = array<i32>} : memref<1x128xf32, #tpu.memory_space<vmem>>, vector<1x16xf32>,
      %get3A_195 = vector.shape_cast %get3A_194 : vector<1x16xf32> to vector<16xf32>
      %sub3A_196 = arith.subf %get3A_190, %get3A_195 : vector<16xf32>
      %swap3A_197 = arith.constant 0 : i32
      %swap3A_198 = arith.index_cast %swap3A_197 : i32 to index
      %swap3A_199 = arith.constant 32 : index
      %swap3A_200 = tpu.vector_load %arg10[%swap3A_198, %swap3A_199] {strides = array<i32>} : memref<256x128xf32, #tpu.memory_space<vmem>>, vector<1x16xf32>,
      %swap3A_201 = vector.shape_cast %swap3A_200 : vector<1x16xf32> to vector<16xf32>
      %swap3A_202 = vector.shape_cast %sub3A_196 : vector<16xf32> to vector<1x16xf32>
      tpu.vector_store %arg10[%swap3A_198, %swap3A_199], %swap3A_202 {strides = array<i32>} : memref<256x128xf32, #tpu.memory_space<vmem>>, vector<1x16xf32>,
      %get3A_203 = arith.constant 0 : i32
      %get3A_204 = arith.index_cast %get3A_203 : i32 to index
      %get3A_205 = arith.constant 48 : index
      %get3A_206 = tpu.vector_load %arg10[%get3A_204, %get3A_205] {strides = array<i32>} : memref<256x128xf32, #tpu.memory_space<vmem>>, vector<1x16xf32>,
      %get3A_207 = vector.shape_cast %get3A_206 : vector<1x16xf32> to vector<16xf32>
      %get3A_208 = arith.constant 0 : i32
      %get3A_209 = arith.index_cast %get3A_208 : i32 to index
      %get3A_210 = arith.constant 48 : index
      %get3A_211 = tpu.vector_load %arg13[%get3A_209, %get3A_210] {strides = array<i32>} : memref<1x128xf32, #tpu.memory_space<vmem>>, vector<1x16xf32>,
      %get3A_212 = vector.shape_cast %get3A_211 : vector<1x16xf32> to vector<16xf32>
      %sub3A_213 = arith.subf %get3A_207, %get3A_212 : vector<16xf32>
      %swap3A_214 = arith.constant 0 : i32
      %swap3A_215 = arith.index_cast %swap3A_214 : i32 to index
      %swap3A_216 = arith.constant 48 : index
      %swap3A_217 = tpu.vector_load %arg10[%swap3A_215, %swap3A_216] {strides = array<i32>} : memref<256x128xf32, #tpu.memory_space<vmem>>, vector<1x16xf32>,
      %swap3A_218 = vector.shape_cast %swap3A_217 : vector<1x16xf32> to vector<16xf32>
      %swap3A_219 = vector.shape_cast %sub3A_213 : vector<16xf32> to vector<1x16xf32>
      tpu.vector_store %arg10[%swap3A_215, %swap3A_216], %swap3A_219 {strides = array<i32>} : memref<256x128xf32, #tpu.memory_space<vmem>>, vector<1x16xf32>,
      %get3A_220 = arith.constant 0 : i32
      %get3A_221 = arith.index_cast %get3A_220 : i32 to index
      %get3A_222 = arith.constant 64 : index
      %get3A_223 = tpu.vector_load %arg10[%get3A_221, %get3A_222] {strides = array<i32>} : memref<256x128xf32, #tpu.memory_space<vmem>>, vector<1x16xf32>,
      %get3A_224 = vector.shape_cast %get3A_223 : vector<1x16xf32> to vector<16xf32>
      %get3A_225 = arith.constant 0 : i32
      %get3A_226 = arith.index_cast %get3A_225 : i32 to index
      %get3A_227 = arith.constant 64 : index
      %get3A_228 = tpu.vector_load %arg13[%get3A_226, %get3A_227] {strides = array<i32>} : memref<1x128xf32, #tpu.memory_space<vmem>>, vector<1x16xf32>,
      %get3A_229 = vector.shape_cast %get3A_228 : vector<1x16xf32> to vector<16xf32>
      %sub3A_230 = arith.subf %get3A_224, %get3A_229 : vector<16xf32>
      %swap3A_231 = arith.constant 0 : i32
      %swap3A_232 = arith.index_cast %swap3A_231 : i32 to index
      %swap3A_233 = arith.constant 64 : index
      %swap3A_234 = tpu.vector_load %arg10[%swap3A_232, %swap3A_233] {strides = array<i32>} : memref<256x128xf32, #tpu.memory_space<vmem>>, vector<1x16xf32>,
      %swap3A_235 = vector.shape_cast %swap3A_234 : vector<1x16xf32> to vector<16xf32>
      %swap3A_236 = vector.shape_cast %sub3A_230 : vector<16xf32> to vector<1x16xf32>
      tpu.vector_store %arg10[%swap3A_232, %swap3A_233], %swap3A_236 {strides = array<i32>} : memref<256x128xf32, #tpu.memory_space<vmem>>, vector<1x16xf32>,
      %get3A_237 = arith.constant 0 : i32
      %get3A_238 = arith.index_cast %get3A_237 : i32 to index
      %get3A_239 = arith.constant 80 : index
      %get3A_240 = tpu.vector_load %arg10[%get3A_238, %get3A_239] {strides = array<i32>} : memref<256x128xf32, #tpu.memory_space<vmem>>, vector<1x16xf32>,
      %get3A_241 = vector.shape_cast %get3A_240 : vector<1x16xf32> to vector<16xf32>
      %get3A_242 = arith.constant 0 : i32
      %get3A_243 = arith.index_cast %get3A_242 : i32 to index
      %get3A_244 = arith.constant 80 : index
      %get3A_245 = tpu.vector_load %arg13[%get3A_243, %get3A_244] {strides = array<i32>} : memref<1x128xf32, #tpu.memory_space<vmem>>, vector<1x16xf32>,
      %get3A_246 = vector.shape_cast %get3A_245 : vector<1x16xf32> to vector<16xf32>
      %sub3A_247 = arith.subf %get3A_241, %get3A_246 : vector<16xf32>
      %swap3A_248 = arith.constant 0 : i32
      %swap3A_249 = arith.index_cast %swap3A_248 : i32 to index
      %swap3A_250 = arith.constant 80 : index
      %swap3A_251 = tpu.vector_load %arg10[%swap3A_249, %swap3A_250] {strides = array<i32>} : memref<256x128xf32, #tpu.memory_space<vmem>>, vector<1x16xf32>,
      %swap3A_252 = vector.shape_cast %swap3A_251 : vector<1x16xf32> to vector<16xf32>
      %swap3A_253 = vector.shape_cast %sub3A_247 : vector<16xf32> to vector<1x16xf32>
      tpu.vector_store %arg10[%swap3A_249, %swap3A_250], %swap3A_253 {strides = array<i32>} : memref<256x128xf32, #tpu.memory_space<vmem>>, vector<1x16xf32>,
      %get3A_254 = arith.constant 0 : i32
      %get3A_255 = arith.index_cast %get3A_254 : i32 to index
      %get3A_256 = arith.constant 96 : index
      %get3A_257 = tpu.vector_load %arg10[%get3A_255, %get3A_256] {strides = array<i32>} : memref<256x128xf32, #tpu.memory_space<vmem>>, vector<1x16xf32>,
      %get3A_258 = vector.shape_cast %get3A_257 : vector<1x16xf32> to vector<16xf32>
      %get3A_259 = arith.constant 0 : i32
      %get3A_260 = arith.index_cast %get3A_259 : i32 to index
      %get3A_261 = arith.constant 96 : index
      %get3A_262 = tpu.vector_load %arg13[%get3A_260, %get3A_261] {strides = array<i32>} : memref<1x128xf32, #tpu.memory_space<vmem>>, vector<1x16xf32>,
      %get3A_263 = vector.shape_cast %get3A_262 : vector<1x16xf32> to vector<16xf32>
      %sub3A_264 = arith.subf %get3A_258, %get3A_263 : vector<16xf32>
      %swap3A_265 = arith.constant 0 : i32
      %swap3A_266 = arith.index_cast %swap3A_265 : i32 to index
      %swap3A_267 = arith.constant 96 : index
      %swap3A_268 = tpu.vector_load %arg10[%swap3A_266, %swap3A_267] {strides = array<i32>} : memref<256x128xf32, #tpu.memory_space<vmem>>, vector<1x16xf32>,
      %swap3A_269 = vector.shape_cast %swap3A_268 : vector<1x16xf32> to vector<16xf32>
      %swap3A_270 = vector.shape_cast %sub3A_264 : vector<16xf32> to vector<1x16xf32>
      tpu.vector_store %arg10[%swap3A_266, %swap3A_267], %swap3A_270 {strides = array<i32>} : memref<256x128xf32, #tpu.memory_space<vmem>>, vector<1x16xf32>,
      %get3A_271 = arith.constant 0 : i32
      %get3A_272 = arith.index_cast %get3A_271 : i32 to index
      %get3A_273 = arith.constant 112 : index
      %get3A_274 = tpu.vector_load %arg10[%get3A_272, %get3A_273] {strides = array<i32>} : memref<256x128xf32, #tpu.memory_space<vmem>>, vector<1x16xf32>,
      %get3A_275 = vector.shape_cast %get3A_274 : vector<1x16xf32> to vector<16xf32>
      %get3A_276 = arith.constant 0 : i32
      %get3A_277 = arith.index_cast %get3A_276 : i32 to index
      %get3A_278 = arith.constant 112 : index
      %get3A_279 = tpu.vector_load %arg13[%get3A_277, %get3A_278] {strides = array<i32>} : memref<1x128xf32, #tpu.memory_space<vmem>>, vector<1x16xf32>,
      %get3A_280 = vector.shape_cast %get3A_279 : vector<1x16xf32> to vector<16xf32>
      %sub3A_281 = arith.subf %get3A_275, %get3A_280 : vector<16xf32>
      %swap3A_282 = arith.constant 0 : i32
      %swap3A_283 = arith.index_cast %swap3A_282 : i32 to index
      %swap3A_284 = arith.constant 112 : index
      %swap3A_285 = tpu.vector_load %arg10[%swap3A_283, %swap3A_284] {strides = array<i32>} : memref<256x128xf32, #tpu.memory_space<vmem>>, vector<1x16xf32>,
      %swap3A_286 = vector.shape_cast %swap3A_285 : vector<1x16xf32> to vector<16xf32>
      %swap3A_287 = vector.shape_cast %sub3A_281 : vector<16xf32> to vector<1x16xf32>
      tpu.vector_store %arg10[%swap3A_283, %swap3A_284], %swap3A_287 {strides = array<i32>} : memref<256x128xf32, #tpu.memory_space<vmem>>, vector<1x16xf32>,
    } else {
    }
    %add3A_90 = arith.constant 5888 : i32
    %add3A_91 = arith.addi %mul3A_2, %add3A_90 : i32
    %dma_start3A_92 = arith.constant 0 : i32
    %dma_start3A_93 = tpu.memref_slice %arg7[%add3A_91, %dma_start3A_92] : memref<204800x128xf32, #tpu.memory_space<hbm>> -> memref<256x128xf32, #tpu.memory_space<hbm>>
    %dma_start3A_94 = arith.constant 0 : i32
    %dma_start3A_95 = tpu.memref_slice %arg7[%add3A_91, %dma_start3A_94] : memref<204800x128xf32, #tpu.memory_space<hbm>> -> memref<256x128xf32, #tpu.memory_space<hbm>>
    tpu.enqueue_dma source(%arg12 : memref<256x128xf32, #tpu.memory_space<vmem>>) target(%dma_start3A_95 : memref<256x128xf32, #tpu.memory_space<hbm>>) target_semaphore(%arg27 : memref<!tpu.dma_semaphore, #tpu.memory_space<semaphore_mem>>)
    %add3A_96 = arith.constant 5632 : i32
    %add3A_97 = arith.addi %mul3A_2, %add3A_96 : i32
    %dma_wait3A_98 = arith.constant 0 : i32
    %dma_wait3A_99 = tpu.memref_slice %arg7[%add3A_97, %dma_wait3A_98] : memref<204800x128xf32, #tpu.memory_space<hbm>> -> memref<256x128xf32, #tpu.memory_space<hbm>>
    %dma_wait3A_100 = arith.constant 0 : i32
    %dma_wait3A_101 = tpu.memref_slice %arg7[%add3A_97, %dma_wait3A_100] : memref<204800x128xf32, #tpu.memory_space<hbm>> -> memref<256x128xf32, #tpu.memory_space<hbm>>
    tpu.wait_dma2 semaphore(%arg26 : memref<!tpu.dma_semaphore, #tpu.memory_space<semaphore_mem>>) src(%arg11 : memref<256x128xf32, #tpu.memory_space<vmem>>) dst(%dma_wait3A_101 : memref<256x128xf32, #tpu.memory_space<hbm>>)
    %dma_wait3A_102 = arith.constant 0 : i32
    %dma_wait3A_103 = arith.constant 0 : i32
    %dma_wait3A_104 = tpu.memref_slice %arg10[%dma_wait3A_102, %dma_wait3A_103] : memref<256x128xf32, #tpu.memory_space<vmem>> -> memref<128x128xf32, #tpu.memory_space<vmem>>
    %dma_wait3A_105 = arith.constant 6144 : i32
    %dma_wait3A_106 = tpu.memref_slice %arg8[%dma_wait3A_105] : memref<6400xi32, #tpu.memory_space<vmem>> -> memref<128xi32, #tpu.memory_space<vmem>>
    %dma_wait3A_107 = arith.constant 0 : i32
    %dma_wait3A_108 = arith.constant 0 : i32
    %dma_wait3A_109 = tpu.memref_slice %arg14[%dma_wait3A_107, %dma_wait3A_108] : memref<32x128xf32, #tpu.memory_space<vmem_shared>> -> memref<32x128xf32, #tpu.memory_space<vmem_shared>>
    tpu.wait_indirect_dma semaphore(%arg16 : memref<!tpu.dma_semaphore, #tpu.memory_space<semaphore_mem>>) src(%dma_wait3A_109 : memref<32x128xf32, #tpu.memory_space<vmem_shared>>) dst(%dma_wait3A_104 : memref<128x128xf32, #tpu.memory_space<vmem>>)
    %dma_wait3A_110 = arith.constant 128 : i32
    %dma_wait3A_111 = arith.constant 0 : i32
    %dma_wait3A_112 = tpu.memref_slice %arg10[%dma_wait3A_110, %dma_wait3A_111] : memref<256x128xf32, #tpu.memory_space<vmem>> -> memref<128x128xf32, #tpu.memory_space<vmem>>
    %dma_wait3A_113 = arith.constant 6272 : i32
    %dma_wait3A_114 = tpu.memref_slice %arg8[%dma_wait3A_113] : memref<6400xi32, #tpu.memory_space<vmem>> -> memref<128xi32, #tpu.memory_space<vmem>>
    %dma_wait3A_115 = arith.constant 0 : i32
    %dma_wait3A_116 = arith.constant 0 : i32
    %dma_wait3A_117 = tpu.memref_slice %arg14[%dma_wait3A_115, %dma_wait3A_116] : memref<32x128xf32, #tpu.memory_space<vmem_shared>> -> memref<32x128xf32, #tpu.memory_space<vmem_shared>>
    tpu.wait_indirect_dma semaphore(%arg16 : memref<!tpu.dma_semaphore, #tpu.memory_space<semaphore_mem>>) src(%dma_wait3A_117 : memref<32x128xf32, #tpu.memory_space<vmem_shared>>) dst(%dma_wait3A_112 : memref<128x128xf32, #tpu.memory_space<vmem>>)
    %dma_wait3A_118 = arith.constant 0 : i32
    %dma_wait3A_119 = arith.constant 0 : i32
    %dma_wait3A_120 = tpu.memref_slice %arg10[%dma_wait3A_118, %dma_wait3A_119] : memref<256x128xf32, #tpu.memory_space<vmem>> -> memref<128x128xf32, #tpu.memory_space<vmem>>
    %dma_wait3A_121 = arith.constant 6144 : i32
    %dma_wait3A_122 = tpu.memref_slice %arg9[%dma_wait3A_121] : memref<6400xi32, #tpu.memory_space<vmem>> -> memref<128xi32, #tpu.memory_space<vmem>>
    %dma_wait3A_123 = arith.constant 0 : i32
    %dma_wait3A_124 = arith.constant 0 : i32
    %dma_wait3A_125 = tpu.memref_slice %arg15[%dma_wait3A_123, %dma_wait3A_124] : memref<1024x128xf32, #tpu.memory_space<vmem_shared>> -> memref<1024x128xf32, #tpu.memory_space<vmem_shared>>
    tpu.wait_indirect_dma semaphore(%arg19 : memref<!tpu.dma_semaphore, #tpu.memory_space<semaphore_mem>>) src(%dma_wait3A_125 : memref<1024x128xf32, #tpu.memory_space<vmem_shared>>) dst(%dma_wait3A_120 : memref<128x128xf32, #tpu.memory_space<vmem>>)
    %dma_wait3A_126 = arith.constant 128 : i32
    %dma_wait3A_127 = arith.constant 0 : i32
    %dma_wait3A_128 = tpu.memref_slice %arg10[%dma_wait3A_126, %dma_wait3A_127] : memref<256x128xf32, #tpu.memory_space<vmem>> -> memref<128x128xf32, #tpu.memory_space<vmem>>
    %dma_wait3A_129 = arith.constant 6272 : i32
    %dma_wait3A_130 = tpu.memref_slice %arg9[%dma_wait3A_129] : memref<6400xi32, #tpu.memory_space<vmem>> -> memref<128xi32, #tpu.memory_space<vmem>>
    %dma_wait3A_131 = arith.constant 0 : i32
    %dma_wait3A_132 = arith.constant 0 : i32
    %dma_wait3A_133 = tpu.memref_slice %arg15[%dma_wait3A_131, %dma_wait3A_132] : memref<1024x128xf32, #tpu.memory_space<vmem_shared>> -> memref<1024x128xf32, #tpu.memory_space<vmem_shared>>
    tpu.wait_indirect_dma semaphore(%arg19 : memref<!tpu.dma_semaphore, #tpu.memory_space<semaphore_mem>>) src(%dma_wait3A_133 : memref<1024x128xf32, #tpu.memory_space<vmem_shared>>) dst(%dma_wait3A_128 : memref<128x128xf32, #tpu.memory_space<vmem>>)
    %add3A_134 = arith.constant 6144 : i32
    %add3A_135 = arith.addi %mul3A_2, %add3A_134 : i32
    %dma_start3A_136 = arith.constant 0 : i32
    %dma_start3A_137 = tpu.memref_slice %arg7[%add3A_135, %dma_start3A_136] : memref<204800x128xf32, #tpu.memory_space<hbm>> -> memref<256x128xf32, #tpu.memory_space<hbm>>
    %dma_start3A_138 = arith.constant 0 : i32
    %dma_start3A_139 = tpu.memref_slice %arg7[%add3A_135, %dma_start3A_138] : memref<204800x128xf32, #tpu.memory_space<hbm>> -> memref<256x128xf32, #tpu.memory_space<hbm>>
    tpu.enqueue_dma source(%arg10 : memref<256x128xf32, #tpu.memory_space<vmem>>) target(%dma_start3A_139 : memref<256x128xf32, #tpu.memory_space<hbm>>) target_semaphore(%arg25 : memref<!tpu.dma_semaphore, #tpu.memory_space<semaphore_mem>>)
    %add3A_140 = arith.constant 5888 : i32
    %add3A_141 = arith.addi %mul3A_2, %add3A_140 : i32
    %dma_wait3A_142 = arith.constant 0 : i32
    %dma_wait3A_143 = tpu.memref_slice %arg7[%add3A_141, %dma_wait3A_142] : memref<204800x128xf32, #tpu.memory_space<hbm>> -> memref<256x128xf32, #tpu.memory_space<hbm>>
    %dma_wait3A_144 = arith.constant 0 : i32
    %dma_wait3A_145 = tpu.memref_slice %arg7[%add3A_141, %dma_wait3A_144] : memref<204800x128xf32, #tpu.memory_space<hbm>> -> memref<256x128xf32, #tpu.memory_space<hbm>>
    tpu.wait_dma2 semaphore(%arg27 : memref<!tpu.dma_semaphore, #tpu.memory_space<semaphore_mem>>) src(%arg12 : memref<256x128xf32, #tpu.memory_space<vmem>>) dst(%dma_wait3A_145 : memref<256x128xf32, #tpu.memory_space<hbm>>)
    %add3A_146 = arith.constant 6144 : i32
    %add3A_147 = arith.addi %mul3A_2, %add3A_146 : i32
    %dma_wait3A_148 = arith.constant 0 : i32
    %dma_wait3A_149 = tpu.memref_slice %arg7[%add3A_147, %dma_wait3A_148] : memref<204800x128xf32, #tpu.memory_space<hbm>> -> memref<256x128xf32, #tpu.memory_space<hbm>>
    %dma_wait3A_150 = arith.constant 0 : i32
    %dma_wait3A_151 = tpu.memref_slice %arg7[%add3A_147, %dma_wait3A_150] : memref<204800x128xf32, #tpu.memory_space<hbm>> -> memref<256x128xf32, #tpu.memory_space<hbm>>
    tpu.wait_dma2 semaphore(%arg25 : memref<!tpu.dma_semaphore, #tpu.memory_space<semaphore_mem>>) src(%arg10 : memref<256x128xf32, #tpu.memory_space<vmem>>) dst(%dma_wait3A_151 : memref<256x128xf32, #tpu.memory_space<hbm>>)
    return
  }
}

</mosaic_0001>

<sc_bundles>
// kernel: _encode.3.cloned.1.call-start
scs
__scs_entry_jumppad:
0x0: {  	(pc) =	sbr.rel $0x88, $3  }
0x1: {  	(tag) =	ssettag $0x0;
	lr =	simm.s32 $0x1  }
0x2: {  	[smem:$0x3F9C] =	sst lr;
	_ =	strace $0xD0000000  }
0x3: {  	_ = 	snop  }
0x4: {  	_ = 	snop  }
0x5: {  	_ = 	snop  }
0x6: {  	_ = 	snop  }
0x7: {  	_ = 	snop  }
__scs_overlays_trampoline_lowered:
0x8: {  	[smem:$0x3FAB] =	sst s0  }
0x9: {  	[smem:$0x3FAC] =	sst s1  }
0xa: {  	[smem:$0x3FAD] =	sst s2  }
0xb: {  	[smem:$0x3FAE] =	sst s3  }
0xc: {  	[smem:$0x3FAF] =	sst s4  }
0xd: {  	[smem:$0x3FB0] =	sst s5  }
0xe: {  	[smem:$0x3FB1] =	sst s6  }
0xf: {  	[smem:$0x3FB2] =	sst s7  }
0x10: {  	[smem:$0x3FB3] =	sst s8  }
0x11: {  	[smem:$0x3FB4] =	sst s9;
	s0 =	simm.s32 @!p0 $0x0  }
0x12: {  	s1 =	sld [smem:$0x3F9A];
	s0 =	simm.s32 @p0 $0x1  }
0x13: {  	[smem:$0x3FB5] =	sst s0;
	s0 =	simm.s32 @!p1 $0x0  }
0x14: {  	s2 =	sld [smem:$0x3F99];
	s0 =	simm.s32 @p1 $0x1  }
0x15: {  	[smem:$0x3FB6] =	sst s0;
	s0 =	simm.s32 @!p2 $0x0  }
0x16: {  	s3 =	sld [smem:$0x3FDB];
	s0 =	simm.s32 @p2 $0x1  }
0x17: {  	s4 =	simm.s32 $0x1BF5;
	[smem:$0x3FB8] =	sst s0  }
0x18: {  	s0 =	sld [smem:$0x3F9B];
	_ =	swait.ge [sflag:s4], $0x0  }
0x19: {  	s7 =	sld [smem:$0x3F9C]  }
0x1a: {  	s8 =	sadd.s32 $0xFFFFE003, lr  }
0x1b: {  	s9 =	sadd.s32 $0xFFFFFEF7, lr;
	s5 =	simm.s32 $0xFFFFFFFF;
	p2 =	slt.u32 s8, $0xFFFFF086  }
0x1c: {  	p1 =	slt.u32 s9, $0xF7A;
	s5 =	simm.s32 @!p2 $0x0  }
0x1d: {  	s5 =	simm.s32 @p1 $0x1;
	p0 =	seq.s32 s7, s2  }
0x1e: {  	s7 =	smul.u32 @!p0 $0xF7A, s2;
	p2 =	seq.s32 @!p0 s5, $0x0  }
0x1f: {  	s9 =	smul.u32 $0xF7A, s1;
	s8 =	simm.s32 @!p0 $0x1BF5;
	p2 =	por !p2, p0  }
0x20: {  	[sflag:s8] =	ssyncset.s32 @!p0 $0xFFFFF086;
	s6 =	sadd.s32 @!p0 s3, s7;
	s7 =	simm.s32 @!p0 $0x108  }
0x21: {  	s3 =	sadd.s32 s3, s9;
	s6 =	sadd.s32 @!p0 $0x88, s6;
	s7 =	simm.s32 @p2 $0x1082  }
0x22: {  	[simem:s7], [sflag:s8] =	dma.local @!p0 [hbm:s6], $0xF7A  }
0x23: {  	s9 =	sor.u32 $0xD0000000, s2;
	s6 =	simm.s32 $0x108;
	_ =	swait.ge @!p0 [sflag:s8], $0x0  }
0x24: {  	s3 =	sadd.s32 $0x88, s3;
	s6 =	simm.s32 @!p1 $0x1082;
	[sflag:s4] =	ssyncset.s32 $0xFFFFF086  }
0x25: {  	[simem:s6], [sflag:s4] =	dma.local [hbm:s3], $0xF7A  }
0x26: {  	[smem:$0x3F9C] =	sst s1;
	(tag) =	ssettag s2;
	_ =	strace s9  }
0x27: {  	s1 =	sld [smem:$0x3FAC]  }
0x28: {  	s2 =	sld [smem:$0x3FAD]  }
0x29: {  	s4 =	sld [smem:$0x3FAF]  }
0x2a: {  	p0 =	seq.s32 s5, $0x0;
	s5 =	sld [smem:$0x3FB0]  }
0x2b: {  	s6 =	sld [smem:$0x3FB1]  }
0x2c: {  	s7 =	sld [smem:$0x3FB2]  }
0x2d: {  	s3 =	simm.s32 $0x108;
	s8 =	sld [smem:$0x3FB3]  }
0x2e: {  	s3 =	simm.s32 @!p0 $0x1082;
	s9 =	sld [smem:$0x3FB4]  }
0x2f: {  	lr =	sadd.s32 s0, s3;
	s0 =	sld [smem:$0x3FAB]  }
0x30: {  	s3 =	sld [smem:$0x3FAE]  }
0x31: {  	[smem:$0x3FB7] =	sst s10  }
0x32: {  	s10 =	sld [smem:$0x3FB5];
	_ =	sdelay $0x3  }
0x33: {  	p0 =	seq.s32 s10, $0x1;
	s10 =	sld [smem:$0x3FB7];
	_ =	sdelay $0x3  }
0x34: {  	[smem:$0x3FB7] =	sst s10  }
0x35: {  	s10 =	sld [smem:$0x3FB6];
	_ =	sdelay $0x3  }
0x36: {  	p1 =	seq.s32 s10, $0x1;
	s10 =	sld [smem:$0x3FB7];
	_ =	sdelay $0x3  }
0x37: {  	[smem:$0x3FB7] =	sst s10  }
0x38: {  	s10 =	sld [smem:$0x3FB8]  }
0x39: {  	_ = 	snop;
	(pc) =	sbr.ind lr, $3  }
0x3a: {  	_ = 	snop  }
0x3b: {  	_ = 	snop  }
0x3c: {  	p2 =	seq.s32 s10, $0x1;
	s10 =	sld [smem:$0x3FB7]  }
0x3d: {  	_ =	shalt  }
0x3e: {  	_ =	shalt  }
0x3f: {  	_ =	shalt  }
0x40: {  	_ =	shalt  }
0x41: {  	_ =	shalt  }
0x42: {  	_ =	shalt  }
0x43: {  	_ =	shalt  }
0x44: {  	_ =	shalt  }
0x45: {  	_ =	shalt  }
0x46: {  	_ =	shalt  }
0x47: {  	_ =	shalt  }
0x48: {  	_ =	shalt  }
0x49: {  	_ =	shalt  }
0x4a: {  	_ =	shalt  }
0x4b: {  	_ =	shalt  }
0x4c: {  	_ =	shalt  }
0x4d: {  	_ =	shalt  }
0x4e: {  	_ =	shalt  }
0x4f: {  	_ =	shalt  }
0x50: {  	_ =	shalt  }
0x51: {  	_ =	shalt  }
0x52: {  	_ =	shalt  }
0x53: {  	_ =	shalt  }
0x54: {  	_ =	shalt  }
0x55: {  	_ =	shalt  }
0x56: {  	_ =	shalt  }
0x57: {  	_ =	shalt  }
0x58: {  	_ =	shalt  }
0x59: {  	_ =	shalt  }
0x5a: {  	_ =	shalt  }
0x5b: {  	_ =	shalt  }
0x5c: {  	_ =	shalt  }
0x5d: {  	_ =	shalt  }
0x5e: {  	_ =	shalt  }
0x5f: {  	_ =	shalt  }
0x60: {  	_ =	shalt  }
0x61: {  	_ =	shalt  }
0x62: {  	_ =	shalt  }
0x63: {  	_ =	shalt  }
0x64: {  	_ =	shalt  }
0x65: {  	_ =	shalt  }
0x66: {  	_ =	shalt  }
0x67: {  	_ =	shalt  }
0x68: {  	_ =	shalt  }
0x69: {  	_ =	shalt  }
0x6a: {  	_ =	shalt  }
0x6b: {  	_ =	shalt  }
0x6c: {  	_ =	shalt  }
0x6d: {  	_ =	shalt  }
0x6e: {  	_ =	shalt  }
0x6f: {  	_ =	shalt  }
0x70: {  	_ =	shalt  }
0x71: {  	_ =	shalt  }
0x72: {  	_ =	shalt  }
0x73: {  	_ =	shalt  }
0x74: {  	_ =	shalt  }
0x75: {  	_ =	shalt  }
0x76: {  	_ =	shalt  }
0x77: {  	_ =	shalt  }
0x78: {  	_ =	shalt  }
0x79: {  	_ =	shalt  }
0x7a: {  	_ =	shalt  }
0x7b: {  	_ =	shalt  }
0x7c: {  	_ =	shalt  }
0x7d: {  	_ =	shalt  }
0x7e: {  	_ =	shalt  }
0x7f: {  	_ =	shalt  }
0x80: {  	_ =	shalt  }
0x81: {  	_ =	shalt  }
0x82: {  	_ =	shalt  }
0x83: {  	_ =	shalt  }
0x84: {  	_ =	shalt  }
0x85: {  	_ =	shalt  }
0x86: {  	_ =	shalt  }
0x87: {  	_ =	shalt  }
.Lfunc_end0:
.L_simem_size_0:
called_computation_lowered:
.L_overlay_start_0:
0x88: {  	s2 =	sld [smem:$0x3FD9]  }
0x89: {  	s3 =	sld [smem:$0x3FFE];
	_ =	sdelay $0x1  }
0x8a: {  	s1 =	srdreg.scid  }
0x8b: {  	s0 =	sand.u32 $0x1, s1  }
0x8c: {  	s18 =	sshll.u32 s0, $0xA;
	s2 =	sadd.s32 s3, s2  }
0x8d: {  	s2 =	sadd.s32 s2, s18  }
0x8e: {  	[smem:$0x3FC3] =	sst s2  }
0x8f: {  	_ = 	snop  }
0x90: {  	s2 =	sld [smem:$0x3FC9]  }
0x91: {  	s19 =	sld [smem:$0x3FC8]  }
0x92: {  	s4 =	sld [smem:$0x3FC7]  }
0x93: {  	s5 =	sld [smem:$0x3FC6]  }
0x94: {  	s6 =	sld [smem:$0x3FC5]  }
0x95: {  	s7 =	sld [smem:$0x3FD0];
	(tm) =	ssettm $0x1  }
0x96: {  	s8 =	sld [smem:$0x3FFB];
	_ =	sdelay $0x3  }
0x97: {  	_ =	strace s8  }
0x98: {  	s8 =	sld [smem:$0x3FFC];
	_ =	sdelay $0x3  }
0x99: {  	_ =	strace s8  }
0x9a: {  	s8 =	sld [smem:$0x3FFD];
	_ =	sdelay $0x3  }
0x9b: {  	_ =	strace s8  }
0x9c: {  	_ =	strace $0x8FFFFFFF  }
0x9d: {  	s20 =	sld [smem:$0x3FDB];
	_ =	sdelay $0x1  }
0x9e: {  	s9 =	simm.s32 $_scs_section_size  }
0x9f: {  	s10 =	simm.s32 $_size__tile_overlayer_lowered;
	s11 =	simm.s32 $_tile_overlayer_lowered  }
0xa0: {  	s23 =	simm.s32 $0x1BFF;
	s22 =	sshll.u32 s11, $0x1;
	s8 =	sadd.s32 s9, s20  }
0xa1: {  	s12 =	simm.s32 $0x0;
	s21 =	sshll.u32 s10, $0x1;
	s10 =	sadd.s32 s22, s8  }
0xa2: {  	[timem:s12], [sflag:s23] =	dma.local [hbm:s10], s21  }
0xa3: {  	_ =	swait.ge [sflag:s23], s21  }
0xa4: {  	s9 =	ssub.s32 $0x0, s21;
	[sflag:s23] =	ssyncset.done $0x0  }
0xa5: {  	[sflag:s23] =	ssyncadd.s32 s9;
	_ =	sdelay $0x1  }
0xa6: {  	s24 =	simm.s32 $0x1B8B  }
0xa7: {  	_ =	swait.ge [sflag:s24], $0x1  }
0xa8: {  	[sflag:s24] =	ssyncset.done $0x0  }
0xa9: {  	s25 =	simm.s32 $0x1B8E;
	[sflag:s24] =	ssyncadd.s32 $0xFFFFFFFF  }
0xaa: {  	s26 =	simm.s32 $execute0_lowered;
	[smem:$0x3FD2] =	sst s25  }
0xab: {  	s9 =	sshll.u32 s26, $0x1;
	_ =	strace $0x80000046;
	[dreg:$0x1] =	wrdreg $0xFFFFFFFF  }
0xac: {  	s28 =	simm.s32 $_size_execute0_lowered;
	s8 =	sadd.s32 s8, s9;
	[dreg:$0x0] =	wrdreg $0x0  }
0xad: {  	s9 =	sshll.u32 s28, $0x1;
	[dreg:$0x2] =	wrdreg s8  }
0xae: {  	[dreg:$0x3] =	wrdreg s9  }
0xaf: {  	[dreg:$0x4] =	wrdreg $0xC0  }
0xb0: {  	_ =	task [dreg:s12], $0x5FFFF  }
0xb1: {  	[dreg:$0x1] =	wrdreg $0xFFFFFFFF  }
0xb2: {  	[dreg:$0x0] =	wrdreg $0x60  }
0xb3: {  	[dreg:$0x2] =	wrdreg s2  }
0xb4: {  	[dreg:$0x3] =	wrdreg s19  }
0xb5: {  	[dreg:$0x4] =	wrdreg s4  }
0xb6: {  	[dreg:$0x5] =	wrdreg s5  }
0xb7: {  	[dreg:$0x6] =	wrdreg s6  }
0xb8: {  	[dreg:$0x7] =	wrdreg s7  }
0xb9: {  	[dreg:$0x8] =	wrdreg $0x1B2800  }
0xba: {  	[dreg:$0x9] =	wrdreg $0x1B3800  }
0xbb: {  	[dreg:$0xa] =	wrdreg $0x9  }
0xbc: {  	_ =	task.clear_ibuf [dreg:s12], $0xBFFFF;
	_ =	strace $0x90000046  }
0xbd: {  	s29 =	simm.s32 $0x9;
	_ =	strace $0x80000048  }
0xbe: {  	_ =	swait.ge [sflag:s29], $0x1  }
0xbf: {  	[sflag:s29] =	ssyncadd.s32 $0xFFFFFFFF  }
0xc0: {  	_ =	strace $0x90000048  }
0xc1: {  	_ =	sfence  }
0xc2: {  	s30 =	sld [smem:$0x0];
	_ =	sdelay $0x2  }
0xc3: {  	s31 =	sshll.u32 s1, $0xD;
	s1 =	sshrl.u32 s1, $0x2  }
0xc4: {  	s3 =	sand.u32 $0x4000, s31;
	s1 =	sadd.s32 s1, s30  }
0xc5: {  	s0 =	sor.u32 s3, s0;
	s1 =	sshll.u32 s1, $0x11  }
0xc6: {  	s0 =	sor.u32 s1, s0  }
0xc7: {  	s0 =	sadd.s32 $0x8F2B, s0  }
0xc8: {  	[sflag:s0] =	ssyncadd.remote.s32 $0x1  }
0xc9: {  	_ =	sfence.sel $0xFFFF  }
0xca: {  	[dreg:$0x0] =	wrdreg $0xFFFFFFFF;
	(pc) =	sbr.abs _section_cstart, $3  }
0xcb: {  	[dreg:$0x1] =	wrdreg $0xFFFFFFFF  }
0xcc: {  	_ =	task.clear_ibuf [dreg:s12], $0x2FFFF;
	_ =	strace $0x9FFFFFFF  }
0xcd: {  	(tm) =	ssettm $0x7FFFFFFF  }
tec
execute0_lowered:
.L_overlay_start_1:
0x0: {  	(tag) =	ssettag $0x1  }
0x1: {  	s0 =	rddreg [dreg:$0x0]  }
0x2: {  	s1 =	rddreg [dreg:$0x1]  }
0x3: {  	s2 =	rddreg [dreg:$0x2]  }
0x4: {  	s4 =	rddreg [dreg:$0x5]  }
0x5: {  	s3 =	rddreg [dreg:$0x6];
	s6 =	srdreg.scid  }
0x6: {  	s8 =	stileid.u32;
	s5 =	rddreg [dreg:$0x7];
	s7 =	simm.s32 $0x0  }
0x7: {  	s28 =	simm.s32 $0x1;
	s29 =	simm.s32 $0x4;
	s14 =	smul.u32 $0x190000, s8  }
0x8: {  	s30 =	simm.s32 $0x13200;
	s9 =	sand.u32 $0x1, s6;
	s16 =	smul.u32 $0x32000, s8  }
0x9: {  	s31 =	simm.s32 $0x9;
	s24 =	sshll.u32 s8, $0x1;
	s6 =	smul.u32 $0xC8000, s9  }
0xa: {  	s23 =	sor.u32 s9, s24;
	s10 =	ssub.s32 $0x2, s9;
	s9 =	smul.u32 $0x19000, s9  }
0xb: {  	[smem:$0x7FF] =	sst s7;
	p0 =	sne.s32 s8, $0x0;
	s11 =	smul.u32 $0x1900, s23  }
0xc: {  	s8 =	simm.s32 $0x0;
	s12 =	sshrl.u32 s10, $0x1;
	s13 =	smul.u32 $0xC8000, s23  }
0xd: {  	_ =	strace $0x80000047;
	s25 =	smul.u32 $0x19000, s23;
	s10 =	ssub.s32 s10, s12  }
0xe: {  	s17 =	sadd.s32 s6, s14;
	s11 =	sshrl.u32 s11, $0x3;
	s13 =	sshrl.u32 s13, $0x3  }
0xf: {  	s12 =	sadd.s32 s0, s25;
	s18 =	smax.u32 s10, $0x1;
	s19 =	sadd.s32 $0x10000, s17  }
0x10: {  	s21 =	sadd.s32 $0x8000, s17;
	s1 =	sadd.s32 s1, s11;
	[dreg:$0xd] =	wrdreg s12  }
0x11: {  	s26 =	sadd.s32 s4, s13;
	s2 =	sadd.s32 s2, s11;
	[dreg:$0x10] =	wrdreg s18  }
0x12: {  	s20 =	sshrl.u32 s19, $0x3;
	s24 =	sshrl.u32 s21, $0x3;
	[dreg:$0xb] =	wrdreg s1  }
0x13: {  	s21 =	simm.s32 $0x7;
	[dreg:$0xc] =	wrdreg s2;
	s15 =	sadd.s32 $0x17000, s26  }
0x14: {  	s19 =	simm.s32 $0xA;
	s1 =	sadd.s32 $0x18000, s26;
	[dreg:$0xe] =	wrdreg s15  }
0x15: {  	s22 =	sadd.s32 s20, s0;
	s25 =	sadd.s32 s24, s0;
	[dreg:$0xf] =	wrdreg s1  }
0x16: {  	s26 =	sadd.s32 $0x18000, s17;
	s20 =	simm.s32 $0x3200;
	[dreg:$0x9] =	wrdreg s22  }
0x17: {  	s24 =	simm.s32 $0xB200;
	s2 =	simm.s32 $0x5;
	[dreg:$0xa] =	wrdreg s25  }
0x18: {  	s1 =	sadd.s32 s16, s4;
	[dreg:$0x11] =	wrdreg s26;
	s22 =	simm.s32 $0x80  }
0x19: {  	s25 =	simm.s32 $0x8;
	s14 =	sadd.s32 s9, s1;
	s1 =	sshrl.u32 @!p0 s3, $0x3  }
0x1a: {  	s26 =	simm.s32 $0xF200;
	[dreg:$0x12] =	wrdreg s1;
	s1 =	sshrl.u32 @!p0 s5, $0x3  }
0x1b: {  	s4 =	simm.s32 $0x17200;
	[dreg:$0x13] =	wrdreg s1;
	s1 =	simm.s32 $0x2  }
.LBB2_1:
0x1c: {  	[dreg:$0x14] =	wrdreg s8  }
0x1d: {  	s6 =	rddreg [dreg:$0x3]  }
0x1e: {  	s8 =	simm.s32 @!p0 $0x1C0D;
	s9 =	rddreg [dreg:$0x12];
	s10 =	simm.s32 @!p0 $0xD  }
0x1f: {  	[spmem:s9], [sflag:s8] =	dma.local @!p0 [hbm:s6], $0x200  }
0x20: {  	_ =	swait.ge @!p0 [sflag:s10], $0x200  }
0x21: {  	[sflag:s10] =	ssyncset.done @!p0 $0x0  }
0x22: {  	s9 =	rddreg [dreg:$0x13];
	[sflag:s10] =	ssyncadd.s32 @!p0 $0xFFFFFE00  }
0x23: {  	s6 =	rddreg [dreg:$0x4]  }
0x24: {  	[spmem:s9], [sflag:s8] =	dma.local @!p0 [hbm:s6], $0x4000  }
0x25: {  	_ =	swait.ge @!p0 [sflag:s10], $0x4000  }
0x26: {  	[sflag:s10] =	ssyncset.done @!p0 $0x0  }
0x27: {  	s11 =	simm.s32 $0xD;
	[sflag:s10] =	ssyncadd.s32 @!p0 $0xFFFFC000;
	s10 =	rddreg [dreg:$0xb]  }
0x28: {  	[tilespmem:s7], [sflag:$0xD] =	stream.linear.gather [hbm4b:s10+s7], $0x1900, $0x38;
	[tilespmem:$0x1D380] =	vst v63  }
0x29: {  	_ =	swait.ge [sflag:s11], $0x1900  }
0x2a: {  	[sflag:s11] =	ssyncset.done $0x0  }
0x2b: {  	s13 =	simm.s32 $0x1900;
	s12 =	rddreg [dreg:$0xc];
	[sflag:s11] =	ssyncadd.s32 $0xFFFFE700  }
0x2c: {  	[tilespmem:s13], [sflag:$0xD] =	stream.linear.gather [hbm4b:s12+s7], $0x1900, $0x38;
	[tilespmem:$0x1D380] =	vst v63  }
0x2d: {  	_ =	swait.ge [sflag:s11], $0x1900  }
0x2e: {  	[sflag:s11] =	ssyncset.done $0x0  }
0x2f: {  	[sflag:s11] =	ssyncadd.s32 $0xFFFFE700  }
0x30: {  	[bflag:$0x0] =	sbarrier.arrive $0xFFFF  }
0x31: {  	s15 =	rddreg [dreg:$0xd]  }
0x32: {  	[tilespmem:s20], [sflag:$0x7] =	stream.linear.gather [hbm4b:s15+s7], $0x8000, $0x38;
	[tilespmem:$0x1D380] =	vst v63  }
0x33: {  	_ =	swait.ge [sflag:s21], $0x8000  }
0x34: {  	[sflag:s21] =	ssyncset.done $0x0  }
0x35: {  	s13 =	simm.s32 $0x0;
	[sflag:s21] =	ssyncadd.s32 $0xFFFF8000  }
0x36: {  	[tilespmem:s20], [sflag:$0x1] =	stream.indirect.gather.add.f32 [spmem:s3], $0x80, s13, s22, $0xb8;
	[tilespmem:$0x1D380] =	vst v63  }
0x37: {  	s16 =	simm.s32 $0x80;
	s17 =	simm.s32 $0x7200  }
0x38: {  	[tilespmem:s17], [sflag:$0x1] =	stream.indirect.gather.add.f32 [spmem:s3], $0x80, s16, s22, $0xb8;
	[tilespmem:$0x1D380] =	vst v63  }
0x39: {  	s18 =	simm.s32 $0x1900;
	p1 =	por $0x1, $0x1  }
0x3a: {  	[tilespmem:s20], [sflag:$0x4] =	stream.indirect.gather.add.f32 [spmem:s5], $0x80, s18, s22, $0xb8;
	[tilespmem:$0x1D380] =	vst v63  }
0x3b: {  	s9 =	simm.s32 $0x1980;
	s10 =	simm.s32 @!p1 $0x3  }
0x3c: {  	[tilespmem:s17], [sflag:$0x4] =	stream.indirect.gather.add.f32 [spmem:s5], $0x80, s9, s22, $0xb8;
	[tilespmem:$0x1D380] =	vst v63  }
0x3d: {  	_ =	swait.ge @!p1 [sflag:s10], $0x4000  }
0x3e: {  	[sflag:s10] =	ssyncset.done @!p1 $0x0  }
0x3f: {  	[sflag:s10] =	ssyncadd.s32 @!p1 $0xFFFFC000  }
0x40: {  	_ =	swait.ge @!p1 [sflag:s10], $0x4000  }
0x41: {  	[sflag:s10] =	ssyncset.done @!p1 $0x0  }
0x42: {  	s8 =	simm.s32 @!p1 $0x6;
	[sflag:s10] =	ssyncadd.s32 @!p1 $0xFFFFC000  }
0x43: {  	_ =	swait.ge @!p1 [sflag:s8], $0x4000  }
0x44: {  	[sflag:s8] =	ssyncset.done @!p1 $0x0  }
0x45: {  	[sflag:s8] =	ssyncadd.s32 @!p1 $0xFFFFC000  }
0x46: {  	s11 =	sadd.s32 @!p1 $0x0, s14;
	_ =	swait.ge @!p1 [sflag:s8], $0x4000  }
0x47: {  	s15 =	simm.s32 @!p1 $0x13200;
	s10 =	simm.s32 @!p1 $0xB;
	[sflag:s8] =	ssyncset.done @!p1 $0x0  }
0x48: {  	[sflag:s8] =	ssyncadd.s32 @!p1 $0xFFFFC000;
	s8 =	sadd.s32 @!p1 $0xFFFFF000, s11;
	s11 =	simm.s32 @!p1 $0x0  }
0x49: {  	[hbm4b:s8+s11] =	stream.linear.scatter @!p1 [tilespmem:s15], [sflag:$0xC], $0x8000, $0x38;
	[tilespmem:$0x1D380] =	vst v63  }
0x4a: {  	_ =	swait.ge @!p1 [sflag:s10], $0x8000  }
0x4b: {  	s11 =	rddreg [dreg:$0xa];
	[sflag:s10] =	ssyncset.done @!p1 $0x0  }
0x4c: {  	[sflag:s10] =	ssyncadd.s32 @!p1 $0xFFFF8000;
	s8 =	sadd.s32 $0x0, s11  }
0x4d: {  	[tilespmem:s24], [sflag:$0x8] =	stream.linear.gather [hbm4b:s8+s7], $0x8000, $0x38;
	[tilespmem:$0x1D380] =	vst v63  }
0x4e: {  	_ =	swait.ge [sflag:s25], $0x8000  }
0x4f: {  	[sflag:s25] =	ssyncset.done $0x0  }
0x50: {  	s12 =	simm.s32 $0x100;
	[sflag:s25] =	ssyncadd.s32 $0xFFFF8000  }
0x51: {  	[tilespmem:s24], [sflag:$0x2] =	stream.indirect.gather.add.f32 [spmem:s3], $0x80, s12, s22, $0xb8;
	[tilespmem:$0x1D380] =	vst v63  }
0x52: {  	s15 =	simm.s32 $0x180  }
0x53: {  	[tilespmem:s26], [sflag:$0x2] =	stream.indirect.gather.add.f32 [spmem:s3], $0x80, s15, s22, $0xb8;
	[tilespmem:$0x1D380] =	vst v63  }
0x54: {  	s16 =	simm.s32 $0x1A00  }
0x55: {  	[tilespmem:s24], [sflag:$0x5] =	stream.indirect.gather.add.f32 [spmem:s5], $0x80, s16, s22, $0xb8;
	[tilespmem:$0x1D380] =	vst v63  }
0x56: {  	s17 =	simm.s32 $0x1A80  }
0x57: {  	[tilespmem:s26], [sflag:$0x5] =	stream.indirect.gather.add.f32 [spmem:s5], $0x80, s17, s22, $0xb8;
	[tilespmem:$0x1D380] =	vst v63  }
0x58: {  	_ =	swait.ge [sflag:s28], $0x4000  }
0x59: {  	[sflag:s28] =	ssyncset.done $0x0  }
0x5a: {  	[sflag:s28] =	ssyncadd.s32 $0xFFFFC000  }
0x5b: {  	_ =	swait.ge [sflag:s28], $0x4000  }
0x5c: {  	[sflag:s28] =	ssyncset.done $0x0  }
0x5d: {  	[sflag:s28] =	ssyncadd.s32 $0xFFFFC000  }
0x5e: {  	_ =	swait.ge [sflag:s29], $0x4000  }
0x5f: {  	[sflag:s29] =	ssyncset.done $0x0  }
0x60: {  	[sflag:s29] =	ssyncadd.s32 $0xFFFFC000  }
0x61: {  	_ =	swait.ge [sflag:s29], $0x4000  }
0x62: {  	s18 =	sor.u32 s23, s7;
	[sflag:s29] =	ssyncset.done $0x0  }
0x63: {  	p3 =	sne.s32 s18, $0x0;
	[sflag:s29] =	ssyncadd.s32 $0xFFFFC000  }
0x64: {  	v0 =	vld @!p3 [tilespmem:$0x1900];
	_ =	sdelay $0x4  }
0x65: {  	(v2sf) =	vpush @!p3 v0, $0x0;
	_ =	sdelay $0xe  }
0x66: {  	s8 =	spop @!p3 (v2sf)  }
0x67: {  	s8 =	sshll.u32 @!p3 s8, $0x9  }
0x68: {  	s8 =	sshra.s32 @!p3 s8, $0x2  }
0x69: {  	s10 =	simm.s32 @!p3 $0x1B200;
	s11 =	simm.s32 @!p3 $0xD;
	s8 =	sadd.s32 @!p3 s8, s5  }
0x6a: {  	[tilespmem:s10], [sflag:$0xD] =	stream.linear.gather @!p3 [spmem:s8], $0x80, $0x38;
	[tilespmem:$0x1D380] =	vst v63  }
0x6b: {  	_ =	swait.ge @!p3 [sflag:s11], $0x80  }
0x6c: {  	[sflag:s11] =	ssyncset.done @!p3 $0x0  }
0x6d: {  	[sflag:s11] =	ssyncadd.s32 @!p3 $0xFFFFFF80  }
0x6e: {  	v2 =	vld @!p3 [tilespmem:$0x1B250]  }
0x6f: {  	v3 =	vld @!p3 [tilespmem:$0x3250]  }
0x70: {  	v6 =	vld @!p3 [tilespmem:$0x1B240]  }
0x71: {  	v1 =	vld @!p3 [tilespmem:$0x3200]  }
0x72: {  	v10 =	vld @!p3 [tilespmem:$0x3240]  }
0x73: {  	v7 =	vld @!p3 [tilespmem:$0x1B230]  }
0x74: {  	v4 =	vld @!p3 [tilespmem:$0x1B260]  }
0x75: {  	v0 =	vld @!p3 [tilespmem:$0x1B220]  }
0x76: {  	v11 =	vld @!p3 [tilespmem:$0x3230]  }
0x77: {  	s6 =	smov.u32 s0;
	v9 =	vld @!p3 [tilespmem:$0x3260]  }
0x78: {  	s18 =	simm.s32 $0x0;
	s16 =	simm.s32 $0x0;
	s15 =	rddreg [dreg:$0x11];
	v5 =	vld @!p3 [tilespmem:$0x1B210]  }
0x79: {  	s17 =	simm.s32 $0x0;
	s10 =	simm.s32 $0xC00;
	s11 =	sadd.s32 $0x18000, s15;
	v8 =	vld @!p3 [tilespmem:$0x3210]  }
.LBB2_2:
0x7a: {  	v12 =	vld @!p3 [tilespmem:$0x1B200]  }
0x7b: {  	v6 =	vsub.f32 @!p3 v10, v6;
	v7 =	vsub.f32 @!p3 v11, v7;
	v10 =	vld @!p3 [tilespmem:$0x3270]  }
0x7c: {  	v2 =	vsub.f32 @!p3 v3, v2;
	v3 =	vsub.f32 @!p3 v9, v4;
	v4 =	vld @!p3 [tilespmem:$0x1B270]  }
0x7d: {  	[tilespmem:$0x3240] =	vst @!p3 v6;
	v6 =	vld @!p3 [tilespmem:$0x3220]  }
0x7e: {  	[tilespmem:$0x3230] =	vst @!p3 v7  }
0x7f: {  	v1 =	vsub.f32 @!p3 v1, v12;
	[tilespmem:$0x3250] =	vst @!p3 v2  }
0x80: {  	v5 =	vsub.f32 @!p3 v8, v5;
	[tilespmem:$0x3260] =	vst @!p3 v3  }
0x81: {  	[tilespmem:$0x3200] =	vst @!p3 v1;
	v1 =	vsub.f32 @!p3 v10, v4  }
0x82: {  	[tilespmem:$0x3210] =	vst @!p3 v5;
	v0 =	vsub.f32 @!p3 v6, v0  }
0x83: {  	[tilespmem:$0x3270] =	vst @!p3 v1  }
0x84: {  	s9 =	sadd.s32 s17, s14;
	s12 =	simm.s32 @!p1 $0xC;
	[tilespmem:$0x3220] =	vst @!p3 v0  }
0x85: {  	[hbm4b:s9+s7] =	stream.linear.scatter [tilespmem:s20], [sflag:$0xA], $0x8000, $0x38;
	[tilespmem:$0x1D380] =	vst v63  }
0x86: {  	_ =	swait.ge @!p1 [sflag:s12], $0x8000  }
0x87: {  	s0 =	rddreg [dreg:$0x9];
	[sflag:s12] =	ssyncset.done @!p1 $0x0  }
0x88: {  	[sflag:s12] =	ssyncadd.s32 @!p1 $0xFFFF8000;
	s0 =	sadd.s32 s17, s0  }
0x89: {  	[tilespmem:s30], [sflag:$0x9] =	stream.linear.gather [hbm4b:s0+s7], $0x8000, $0x38;
	[tilespmem:$0x1D380] =	vst v63  }
0x8a: {  	_ =	swait.ge [sflag:s31], $0x8000  }
0x8b: {  	[sflag:s31] =	ssyncset.done $0x0  }
0x8c: {  	s12 =	sadd.s32 $0x200, s13;
	[sflag:s31] =	ssyncadd.s32 $0xFFFF8000  }
0x8d: {  	[tilespmem:s30], [sflag:$0x3] =	stream.indirect.gather.add.f32 [spmem:s3], $0x80, s12, s22, $0xb8;
	[tilespmem:$0x1D380] =	vst v63  }
0x8e: {  	s12 =	sadd.s32 $0x280, s13  }
0x8f: {  	[tilespmem:s4], [sflag:$0x3] =	stream.indirect.gather.add.f32 [spmem:s3], $0x80, s12, s22, $0xb8;
	[tilespmem:$0x1D380] =	vst v63  }
0x90: {  	s12 =	sadd.s32 $0x1B00, s13  }
0x91: {  	[tilespmem:s30], [sflag:$0x6] =	stream.indirect.gather.add.f32 [spmem:s5], $0x80, s12, s22, $0xb8;
	[tilespmem:$0x1D380] =	vst v63  }
0x92: {  	s12 =	sadd.s32 $0x1B80, s13  }
0x93: {  	[tilespmem:s4], [sflag:$0x6] =	stream.indirect.gather.add.f32 [spmem:s5], $0x80, s12, s22, $0xb8;
	[tilespmem:$0x1D380] =	vst v63  }
0x94: {  	_ =	swait.ge [sflag:s1], $0x4000  }
0x95: {  	[sflag:s1] =	ssyncset.done $0x0  }
0x96: {  	[sflag:s1] =	ssyncadd.s32 $0xFFFFC000  }
0x97: {  	_ =	swait.ge [sflag:s1], $0x4000  }
0x98: {  	[sflag:s1] =	ssyncset.done $0x0  }
0x99: {  	[sflag:s1] =	ssyncadd.s32 $0xFFFFC000  }
0x9a: {  	_ =	swait.ge [sflag:s2], $0x4000  }
0x9b: {  	[sflag:s2] =	ssyncset.done $0x0  }
0x9c: {  	[sflag:s2] =	ssyncadd.s32 $0xFFFFC000  }
0x9d: {  	_ =	swait.ge [sflag:s2], $0x4000  }
0x9e: {  	[sflag:s2] =	ssyncset.done $0x0  }
0x9f: {  	s13 =	sadd.s32 $0x1000, s9;
	[sflag:s2] =	ssyncadd.s32 $0xFFFFC000  }
0xa0: {  	[hbm4b:s13+s7] =	stream.linear.scatter [tilespmem:s24], [sflag:$0xB], $0x8000, $0x38;
	[tilespmem:$0x1D380] =	vst v63  }
0xa1: {  	_ =	swait.ge [sflag:s19], $0x8000  }
0xa2: {  	s9 =	sshrl.u32 s15, $0x3;
	[sflag:s19] =	ssyncset.done $0x0  }
0xa3: {  	s0 =	sadd.s32 s6, s9;
	[sflag:s19] =	ssyncadd.s32 $0xFFFF8000  }
0xa4: {  	[tilespmem:s20], [sflag:$0x7] =	stream.linear.gather [hbm4b:s0+s7], $0x8000, $0x38;
	[tilespmem:$0x1D380] =	vst v63  }
0xa5: {  	_ =	swait.ge [sflag:s21], $0x8000  }
0xa6: {  	s8 =	smov.u32 s10;
	[sflag:s21] =	ssyncset.done $0x0  }
0xa7: {  	s13 =	sshra.s32 s8, $0x2;
	[sflag:s21] =	ssyncadd.s32 $0xFFFF8000  }
0xa8: {  	[tilespmem:s20], [sflag:$0x1] =	stream.indirect.gather.add.f32 [spmem:s3], $0x80, s13, s22, $0xb8;
	[tilespmem:$0x1D380] =	vst v63  }
0xa9: {  	s9 =	simm.s32 $0x7200;
	s12 =	sadd.s32 $0x80, s13  }
0xaa: {  	[tilespmem:s9], [sflag:$0x1] =	stream.indirect.gather.add.f32 [spmem:s3], $0x80, s12, s22, $0xb8;
	[tilespmem:$0x1D380] =	vst v63  }
0xab: {  	p1 =	seq.s32 s8, $0x0;
	s12 =	sadd.s32 $0x1900, s13  }
0xac: {  	[tilespmem:s20], [sflag:$0x4] =	stream.indirect.gather.add.f32 [spmem:s5], $0x80, s12, s22, $0xb8;
	[tilespmem:$0x1D380] =	vst v63  }
0xad: {  	s8 =	simm.s32 @!p1 $0x3;
	s12 =	sadd.s32 $0x1980, s13  }
0xae: {  	[tilespmem:s9], [sflag:$0x4] =	stream.indirect.gather.add.f32 [spmem:s5], $0x80, s12, s22, $0xb8;
	[tilespmem:$0x1D380] =	vst v63  }
0xaf: {  	_ =	swait.ge @!p1 [sflag:s8], $0x4000  }
0xb0: {  	[sflag:s8] =	ssyncset.done @!p1 $0x0  }
0xb1: {  	[sflag:s8] =	ssyncadd.s32 @!p1 $0xFFFFC000  }
0xb2: {  	_ =	swait.ge @!p1 [sflag:s8], $0x4000  }
0xb3: {  	[sflag:s8] =	ssyncset.done @!p1 $0x0  }
0xb4: {  	s0 =	simm.s32 @!p1 $0x6;
	[sflag:s8] =	ssyncadd.s32 @!p1 $0xFFFFC000  }
0xb5: {  	_ =	swait.ge @!p1 [sflag:s0], $0x4000  }
0xb6: {  	[sflag:s0] =	ssyncset.done @!p1 $0x0  }
0xb7: {  	s18 =	sadd.s32 $0x3000, s18;
	[sflag:s0] =	ssyncadd.s32 @!p1 $0xFFFFC000  }
0xb8: {  	s9 =	sadd.s32 @!p1 s18, s14;
	_ =	swait.ge @!p1 [sflag:s0], $0x4000  }
0xb9: {  	s12 =	simm.s32 @!p1 $0x13200;
	s8 =	simm.s32 @!p1 $0xB;
	[sflag:s0] =	ssyncset.done @!p1 $0x0  }
0xba: {  	[sflag:s0] =	ssyncadd.s32 @!p1 $0xFFFFC000;
	s0 =	sadd.s32 @!p1 $0xFFFFF000, s9;
	s9 =	simm.s32 @!p1 $0x0  }
0xbb: {  	[hbm4b:s0+s9] =	stream.linear.scatter @!p1 [tilespmem:s12], [sflag:$0xC], $0x8000, $0x38;
	[tilespmem:$0x1D380] =	vst v63  }
0xbc: {  	_ =	swait.ge @!p1 [sflag:s8], $0x8000  }
0xbd: {  	[sflag:s8] =	ssyncset.done @!p1 $0x0;
	s12 =	rddreg [dreg:$0xa]  }
0xbe: {  	[sflag:s8] =	ssyncadd.s32 @!p1 $0xFFFF8000;
	s0 =	sadd.s32 s18, s12  }
0xbf: {  	[tilespmem:s24], [sflag:$0x8] =	stream.linear.gather [hbm4b:s0+s7], $0x8000, $0x38;
	[tilespmem:$0x1D380] =	vst v63  }
0xc0: {  	_ =	swait.ge [sflag:s25], $0x8000  }
0xc1: {  	[sflag:s25] =	ssyncset.done $0x0  }
0xc2: {  	s9 =	sadd.s32 $0x100, s13;
	[sflag:s25] =	ssyncadd.s32 $0xFFFF8000  }
0xc3: {  	[tilespmem:s24], [sflag:$0x2] =	stream.indirect.gather.add.f32 [spmem:s3], $0x80, s9, s22, $0xb8;
	[tilespmem:$0x1D380] =	vst v63  }
0xc4: {  	s12 =	sadd.s32 $0x180, s13  }
0xc5: {  	[tilespmem:s26], [sflag:$0x2] =	stream.indirect.gather.add.f32 [spmem:s3], $0x80, s12, s22, $0xb8;
	[tilespmem:$0x1D380] =	vst v63  }
0xc6: {  	s8 =	sadd.s32 $0x1A00, s13  }
0xc7: {  	[tilespmem:s24], [sflag:$0x5] =	stream.indirect.gather.add.f32 [spmem:s5], $0x80, s8, s22, $0xb8;
	[tilespmem:$0x1D380] =	vst v63  }
0xc8: {  	s9 =	sadd.s32 $0x1A80, s13  }
0xc9: {  	[tilespmem:s26], [sflag:$0x5] =	stream.indirect.gather.add.f32 [spmem:s5], $0x80, s9, s22, $0xb8;
	[tilespmem:$0x1D380] =	vst v63  }
0xca: {  	_ =	swait.ge [sflag:s28], $0x4000  }
0xcb: {  	[sflag:s28] =	ssyncset.done $0x0  }
0xcc: {  	[sflag:s28] =	ssyncadd.s32 $0xFFFFC000  }
0xcd: {  	_ =	swait.ge [sflag:s28], $0x4000  }
0xce: {  	[sflag:s28] =	ssyncset.done $0x0  }
0xcf: {  	[sflag:s28] =	ssyncadd.s32 $0xFFFFC000  }
0xd0: {  	_ =	swait.ge [sflag:s29], $0x4000  }
0xd1: {  	[sflag:s29] =	ssyncset.done $0x0  }
0xd2: {  	[sflag:s29] =	ssyncadd.s32 $0xFFFFC000  }
0xd3: {  	s16 =	sadd.s32 $0x1, s16;
	_ =	swait.ge [sflag:s29], $0x4000  }
0xd4: {  	s12 =	sor.u32 s23, s16;
	[sflag:s29] =	ssyncset.done $0x0  }
0xd5: {  	p3 =	sne.s32 s12, $0x0;
	[sflag:s29] =	ssyncadd.s32 $0xFFFFC000  }
0xd6: {  	v0 =	vld @!p3 [tilespmem:$0x1900];
	_ =	sdelay $0x4  }
0xd7: {  	(v2sf) =	vpush @!p3 v0, $0x0;
	_ =	sdelay $0xe  }
0xd8: {  	s0 =	spop @!p3 (v2sf)  }
0xd9: {  	s0 =	sshll.u32 @!p3 s0, $0x9  }
0xda: {  	s0 =	sshra.s32 @!p3 s0, $0x2  }
0xdb: {  	s8 =	simm.s32 @!p3 $0x1B200;
	s9 =	simm.s32 @!p3 $0xD;
	s0 =	sadd.s32 @!p3 s0, s5  }
0xdc: {  	[tilespmem:s8], [sflag:$0xD] =	stream.linear.gather @!p3 [spmem:s0], $0x80, $0x38;
	[tilespmem:$0x1D380] =	vst v63  }
0xdd: {  	_ =	swait.ge @!p3 [sflag:s9], $0x80  }
0xde: {  	[sflag:s9] =	ssyncset.done @!p3 $0x0  }
0xdf: {  	[sflag:s9] =	ssyncadd.s32 @!p3 $0xFFFFFF80  }
0xe0: {  	v2 =	vld @!p3 [tilespmem:$0x1B250]  }
0xe1: {  	v3 =	vld @!p3 [tilespmem:$0x3250]  }
0xe2: {  	v6 =	vld @!p3 [tilespmem:$0x1B240]  }
0xe3: {  	v1 =	vld @!p3 [tilespmem:$0x3200]  }
0xe4: {  	v10 =	vld @!p3 [tilespmem:$0x3240]  }
0xe5: {  	s10 =	sadd.s32 $0xC00, s10;
	v7 =	vld @!p3 [tilespmem:$0x1B230]  }
0xe6: {  	p2 =	sne.s32 s10, $0x6000;
	v4 =	vld @!p3 [tilespmem:$0x1B260]  }
.Ltmp0:
0xe7: {  	v0 =	vld @!p3 [tilespmem:$0x1B220];
	(pc) =	sbr.rel @p2 .LBB2_2-.Ltmp0, $4  }
0xe8: {  	v11 =	vld @!p3 [tilespmem:$0x3230]  }
0xe9: {  	v9 =	vld @!p3 [tilespmem:$0x3260]  }
0xea: {  	v5 =	vld @!p3 [tilespmem:$0x1B210]  }
0xeb: {  	s17 =	smov.u32 s18;
	s15 =	smov.u32 s11;
	s11 =	sadd.s32 $0x18000, s11;
	v8 =	vld @!p3 [tilespmem:$0x3210]  }
0xec: {  	v12 =	vld @!p3 [tilespmem:$0x1B200]  }
0xed: {  	v6 =	vsub.f32 @!p3 v10, v6;
	v10 =	vld @!p3 [tilespmem:$0x3270]  }
0xee: {  	v2 =	vsub.f32 @!p3 v3, v2;
	v3 =	vld @!p3 [tilespmem:$0x3220]  }
0xef: {  	v7 =	vsub.f32 @!p3 v11, v7;
	v11 =	vld @!p3 [tilespmem:$0x1B270];
	[tilespmem:$0x3240] =	vst @!p3 v6  }
0xf0: {  	v4 =	vsub.f32 @!p3 v9, v4;
	[tilespmem:$0x3250] =	vst @!p3 v2  }
0xf1: {  	[tilespmem:$0x3230] =	vst @!p3 v7;
	v2 =	vsub.f32 @!p3 v8, v5  }
0xf2: {  	[tilespmem:$0x3260] =	vst @!p3 v4;
	v1 =	vsub.f32 @!p3 v1, v12  }
0xf3: {  	v0 =	vsub.f32 @!p3 v3, v0;
	[tilespmem:$0x3210] =	vst @!p3 v2  }
0xf4: {  	[tilespmem:$0x3200] =	vst @!p3 v1;
	v1 =	vsub.f32 @!p3 v10, v11  }
0xf5: {  	[tilespmem:$0x3220] =	vst @!p3 v0  }
0xf6: {  	s0 =	sadd.s32 s17, s14;
	s8 =	simm.s32 @!p1 $0xC;
	[tilespmem:$0x3270] =	vst @!p3 v1  }
0xf7: {  	[hbm4b:s0+s7] =	stream.linear.scatter [tilespmem:s20], [sflag:$0xA], $0x8000, $0x38;
	[tilespmem:$0x1D380] =	vst v63  }
0xf8: {  	_ =	swait.ge @!p1 [sflag:s8], $0x8000  }
0xf9: {  	s9 =	rddreg [dreg:$0x9];
	[sflag:s8] =	ssyncset.done @!p1 $0x0  }
0xfa: {  	[sflag:s8] =	ssyncadd.s32 @!p1 $0xFFFF8000;
	s18 =	sadd.s32 s17, s9  }
0xfb: {  	[tilespmem:s30], [sflag:$0x9] =	stream.linear.gather [hbm4b:s18+s7], $0x8000, $0x38;
	[tilespmem:$0x1D380] =	vst v63  }
0xfc: {  	_ =	swait.ge [sflag:s31], $0x8000  }
0xfd: {  	[sflag:s31] =	ssyncset.done $0x0  }
0xfe: {  	s9 =	sadd.s32 $0x200, s13;
	[sflag:s31] =	ssyncadd.s32 $0xFFFF8000  }
0xff: {  	[tilespmem:s30], [sflag:$0x3] =	stream.indirect.gather.add.f32 [spmem:s3], $0x80, s9, s22, $0xb8;
	[tilespmem:$0x1D380] =	vst v63  }
0x100: {  	s10 =	sadd.s32 $0x280, s13  }
0x101: {  	[tilespmem:s4], [sflag:$0x3] =	stream.indirect.gather.add.f32 [spmem:s3], $0x80, s10, s22, $0xb8;
	[tilespmem:$0x1D380] =	vst v63  }
0x102: {  	s11 =	sadd.s32 $0x1B00, s13  }
0x103: {  	[tilespmem:s30], [sflag:$0x6] =	stream.indirect.gather.add.f32 [spmem:s5], $0x80, s11, s22, $0xb8;
	[tilespmem:$0x1D380] =	vst v63  }
0x104: {  	s12 =	sadd.s32 $0x1B80, s13  }
0x105: {  	[tilespmem:s4], [sflag:$0x6] =	stream.indirect.gather.add.f32 [spmem:s5], $0x80, s12, s22, $0xb8;
	[tilespmem:$0x1D380] =	vst v63  }
0x106: {  	_ =	swait.ge [sflag:s1], $0x4000  }
0x107: {  	[sflag:s1] =	ssyncset.done $0x0  }
0x108: {  	[sflag:s1] =	ssyncadd.s32 $0xFFFFC000  }
0x109: {  	_ =	swait.ge [sflag:s1], $0x4000  }
0x10a: {  	[sflag:s1] =	ssyncset.done $0x0  }
0x10b: {  	[sflag:s1] =	ssyncadd.s32 $0xFFFFC000  }
0x10c: {  	_ =	swait.ge [sflag:s2], $0x4000  }
0x10d: {  	[sflag:s2] =	ssyncset.done $0x0  }
0x10e: {  	[sflag:s2] =	ssyncadd.s32 $0xFFFFC000  }
0x10f: {  	_ =	swait.ge [sflag:s2], $0x4000  }
0x110: {  	[sflag:s2] =	ssyncset.done $0x0  }
0x111: {  	s0 =	sadd.s32 $0x1000, s0;
	[sflag:s2] =	ssyncadd.s32 $0xFFFFC000  }
0x112: {  	[hbm4b:s0+s7] =	stream.linear.scatter [tilespmem:s24], [sflag:$0xB], $0x8000, $0x38;
	[tilespmem:$0x1D380] =	vst v63  }
0x113: {  	_ =	swait.ge [sflag:s19], $0x8000  }
0x114: {  	s13 =	sshrl.u32 s15, $0x3;
	[sflag:s19] =	ssyncset.done $0x0  }
0x115: {  	s0 =	sadd.s32 s6, s13;
	[sflag:s19] =	ssyncadd.s32 $0xFFFF8000  }
0x116: {  	[tilespmem:s20], [sflag:$0x7] =	stream.linear.gather [hbm4b:s0+s7], $0x8000, $0x38;
	[tilespmem:$0x1D380] =	vst v63  }
0x117: {  	_ =	swait.ge [sflag:s21], $0x8000  }
0x118: {  	[sflag:s21] =	ssyncset.done $0x0  }
0x119: {  	s15 =	simm.s32 $0x1800;
	[sflag:s21] =	ssyncadd.s32 $0xFFFF8000  }
0x11a: {  	[tilespmem:s20], [sflag:$0x1] =	stream.indirect.gather.add.f32 [spmem:s3], $0x80, s15, s22, $0xb8;
	[tilespmem:$0x1D380] =	vst v63  }
0x11b: {  	s16 =	simm.s32 $0x7200;
	s17 =	simm.s32 $0x1880  }
0x11c: {  	[tilespmem:s16], [sflag:$0x1] =	stream.indirect.gather.add.f32 [spmem:s3], $0x80, s17, s22, $0xb8;
	[tilespmem:$0x1D380] =	vst v63  }
0x11d: {  	s18 =	simm.s32 $0x3100  }
0x11e: {  	[tilespmem:s20], [sflag:$0x4] =	stream.indirect.gather.add.f32 [spmem:s5], $0x80, s18, s22, $0xb8;
	[tilespmem:$0x1D380] =	vst v63  }
0x11f: {  	s9 =	simm.s32 $0x3180;
	s10 =	simm.s32 $0x3  }
0x120: {  	[tilespmem:s16], [sflag:$0x4] =	stream.indirect.gather.add.f32 [spmem:s5], $0x80, s9, s22, $0xb8;
	[tilespmem:$0x1D380] =	vst v63  }
0x121: {  	_ =	swait.ge [sflag:s10], $0x4000  }
0x122: {  	[sflag:s10] =	ssyncset.done $0x0  }
0x123: {  	[sflag:s10] =	ssyncadd.s32 $0xFFFFC000  }
0x124: {  	_ =	swait.ge [sflag:s10], $0x4000  }
0x125: {  	[sflag:s10] =	ssyncset.done $0x0  }
0x126: {  	s11 =	simm.s32 $0x6;
	[sflag:s10] =	ssyncadd.s32 $0xFFFFC000  }
0x127: {  	_ =	swait.ge [sflag:s11], $0x4000  }
0x128: {  	[sflag:s11] =	ssyncset.done $0x0  }
0x129: {  	[sflag:s11] =	ssyncadd.s32 $0xFFFFC000  }
0x12a: {  	_ =	swait.ge [sflag:s11], $0x4000  }
0x12b: {  	[sflag:s11] =	ssyncset.done $0x0  }
0x12c: {  	s13 =	simm.s32 $0xB;
	s12 =	rddreg [dreg:$0xe];
	[sflag:s11] =	ssyncadd.s32 $0xFFFFC000  }
0x12d: {  	[hbm4b:s12+s7] =	stream.linear.scatter [tilespmem:s30], [sflag:$0xC], $0x8000, $0x38;
	[tilespmem:$0x1D380] =	vst v63  }
0x12e: {  	_ =	swait.ge [sflag:s13], $0x8000  }
0x12f: {  	[sflag:s13] =	ssyncset.done $0x0  }
0x130: {  	[sflag:s13] =	ssyncadd.s32 $0xFFFF8000  }
0x131: {  	_ =	swait.ge [sflag:s28], $0x4000  }
0x132: {  	[sflag:s28] =	ssyncset.done $0x0  }
0x133: {  	[sflag:s28] =	ssyncadd.s32 $0xFFFFC000  }
0x134: {  	_ =	swait.ge [sflag:s28], $0x4000  }
0x135: {  	[sflag:s28] =	ssyncset.done $0x0  }
0x136: {  	[sflag:s28] =	ssyncadd.s32 $0xFFFFC000  }
0x137: {  	_ =	swait.ge [sflag:s29], $0x4000  }
0x138: {  	[sflag:s29] =	ssyncset.done $0x0  }
0x139: {  	[sflag:s29] =	ssyncadd.s32 $0xFFFFC000  }
0x13a: {  	_ =	swait.ge [sflag:s29], $0x4000  }
0x13b: {  	[sflag:s29] =	ssyncset.done $0x0  }
0x13c: {  	s16 =	simm.s32 $0xC;
	s15 =	rddreg [dreg:$0xf];
	[sflag:s29] =	ssyncadd.s32 $0xFFFFC000  }
0x13d: {  	[hbm4b:s15+s7] =	stream.linear.scatter [tilespmem:s20], [sflag:$0xA], $0x8000, $0x38;
	[tilespmem:$0x1D380] =	vst v63  }
0x13e: {  	_ =	swait.ge [sflag:s16], $0x8000  }
0x13f: {  	[sflag:s16] =	ssyncset.done $0x0  }
0x140: {  	[sflag:s16] =	ssyncadd.s32 $0xFFFF8000  }
0x141: {  	_ =	swait.ge [sflag:s19], $0x8000  }
0x142: {  	s17 =	rddreg [dreg:$0x14]  }
0x143: {  	s18 =	rddreg [dreg:$0x10];
	s8 =	sadd.s32 $0x1, s17  }
0x144: {  	p1 =	sne.s32 s8, s18  }
.Ltmp1:
0x145: {  	_ = 	snop;
	(pc) =	sbr.rel @p1 .LBB2_1-.Ltmp1, $3  }
0x146: {  	_ =	sdelay $0x1  }
0x147: {  	[sflag:s19] =	ssyncset.done $0x0  }
0x148: {  	s0 =	smov.u32 s6;
	[sflag:s19] =	ssyncadd.s32 $0xFFFF8000  }
0x149: {  	_ =	sfence.sel $0x180000  }
0x14a: {  	[bflag:$0x0] =	sbarrier.arrive $0xFFFF  }
0x14b: {  	_ =	strace $0x90000047  }
0x14c: {  	[bflag:$0x2] =	sbarrier.arrive $0xFFFF  }
0x14d: {  	s0 =	rddreg [dreg:$0x8]  }
0x14e: {  	s0 =	sadd.s32 @!p0 $0x100000, s0  }
0x14f: {  	[sflag:s0] =	ssyncadd.tile.s32 @!p0 $0x1;
	_ =	shalt  }
.Lfunc_end2:
_tile_overlayer_lowered:
.L_overlay_start_2:
0x150: {  	(tag) =	ssettag $0x2  }
0x151: {  	s0 =	rddreg [dreg:$0x0];
	s2 =	stileid.u32  }
0x152: {  	s1 =	rddreg [dreg:$0x1];
	p0 =	sne.s32 s2, $0x0  }
0x153: {  	s3 =	rddreg [dreg:$0x2];
	[bflag:$0x3] =	sbarrier.arrive $0xFFFF;
	s2 =	simm.s32 @!p0 $0x1C0D  }
0x154: {  	[timem:s3], [sflag:s2] =	dma.local @!p0 [hbm:s0], s1  }
0x155: {  	s0 =	simm.s32 @!p0 $0xD  }
0x156: {  	_ =	swait.ge @!p0 [sflag:s0], s1  }
0x157: {  	s1 =	ssub.s32 @!p0 $0x0, s1;
	[sflag:s0] =	ssyncset.done @!p0 $0x0  }
0x158: {  	[sflag:s0] =	ssyncadd.s32 @!p0 s1  }
0x159: {  	[bflag:$0x3] =	sbarrier.arrive $0xFFFF  }
0x15a: {  	_ =	shalt  }

</sc_bundles>
